<compile_context>
chip_gen: v7x
topology: tpu7x:2x2x1
jax: 0.10.2.dev20260603
libtpu: 0.0.44.dev20260713+nightly
codegen_flags: <defaults>
</compile_context>

<pallas_src>
import functools

import jax
import jax.numpy as jnp
from jax import lax
from jax.experimental import pallas as pl
from jax.experimental.pallas import tpu as pltpu
from jax.experimental.pallas import tpu_sc as plsc

B = 16384
D = 64
NC = 2
NS = 16
NW = NC * NS
BPW = B // NW
CH = 128
NCH = BPW // CH

TC_ROWS = 4096


def _sc_body(tab_hbm, idx_hbm, out_hbm, idx_v, rows_v, sem_idx, sem_gat,
             sem_out):
    wid = lax.axis_index("s") * NC + lax.axis_index("c")
    base = wid * BPW

    pltpu.async_copy(idx_hbm.at[wid], idx_v, sem_idx).wait()

    gathers = []
    for j in range(NCH):
        gathers.append(pltpu.async_copy(
            tab_hbm.at[idx_v.at[j]], rows_v.at[pl.ds(j * CH, CH)], sem_gat))
    for c in gathers:
        c.wait()

    pltpu.async_copy(rows_v, out_hbm.at[pl.ds(base, BPW)], sem_out).wait()


V = 100000
TR_COLS = 16384


def _tr_body(inT_ref, out_ref):
    out_ref[:, :D] = inT_ref[...].T


def _tc_body(gu_ref, gi_ref, xui_ref, guT_ref, giT_ref):
    gu = gu_ref[:, :D]
    gi = gi_ref[:, :D]
    xui_ref[...] = jnp.sum(gu * gi, axis=1)
    guT_ref[...] = gu.T
    giT_ref[...] = gi.T


@jax.jit
def _run(Gu, Gi, user_r, item_r):
    mesh = plsc.VectorSubcoreMesh(core_axis_name="c", subcore_axis_name="s")

    tr_fn = pl.pallas_call(
        _tr_body,
        grid=((V + TR_COLS - 1) // TR_COLS,),
        in_specs=[pl.BlockSpec((D, TR_COLS), lambda i: (0, i))],
        out_specs=pl.BlockSpec((TR_COLS, 128), lambda i: (i, 0)),
        out_shape=jax.ShapeDtypeStruct((V, 128), jnp.float32),
    )
    Gu_lin = tr_fn(Gu.T)
    Gi_lin = tr_fn(Gi.T)

    gather_fn = pl.kernel(
        _sc_body,
        out_type=[jax.ShapeDtypeStruct((B, 128), jnp.float32)],
        mesh=mesh,
        compiler_params=pltpu.CompilerParams(use_tc_tiling_on_sc=False),
        scratch_types=[
            pltpu.VMEM((NCH, CH), jnp.int32),
            pltpu.VMEM((BPW, 128), jnp.float32),
            pltpu.SemaphoreType.DMA,
            pltpu.SemaphoreType.DMA,
            pltpu.SemaphoreType.DMA,
        ],
    )
    (gamma_u,) = gather_fn(Gu_lin, user_r)
    (gamma_i,) = gather_fn(Gi_lin, item_r)

    xui, guT, giT = pl.pallas_call(
        _tc_body,
        grid=(B // TC_ROWS,),
        in_specs=[
            pl.BlockSpec((TC_ROWS, 128), lambda i: (i, 0)),
            pl.BlockSpec((TC_ROWS, 128), lambda i: (i, 0)),
        ],
        out_specs=[
            pl.BlockSpec((TC_ROWS,), lambda i: (i,)),
            pl.BlockSpec((D, TC_ROWS), lambda i: (0, i)),
            pl.BlockSpec((D, TC_ROWS), lambda i: (0, i)),
        ],
        out_shape=[
            jax.ShapeDtypeStruct((B,), jnp.float32),
            jax.ShapeDtypeStruct((D, B), jnp.float32),
            jax.ShapeDtypeStruct((D, B), jnp.float32),
        ],
    )(gamma_u, gamma_i)

    return xui, guT.T, giT.T


def kernel(Gu, Gi, user, item):
    user_r = user.astype(jnp.int32).reshape(NW, NCH, CH)
    item_r = item.astype(jnp.int32).reshape(NW, NCH, CH)
    xui, gamma_u, gamma_i = _run(Gu, Gi, user_r, item_r)
    return (xui, gamma_u, gamma_i)

# --- scband reference (transcript-rebuilt; emitter-appended) ---
"""Pipeline reference for scband-disen-gcnmodel-52424370815075 (READ-ONLY COPY).

The authoritative reference and input builder live on the scoring server;
editing this copy changes nothing except your own understanding.
"""

import jax, jax.numpy as jnp
import numpy as np

NUM_USERS = 100000
NUM_ITEMS = 100000
EMBED_K = 64
BATCH = 16384


def setup_inputs(seed: int = 0) -> dict:
    key = jax.random.key(seed)
    k1, k2, k3, k4 = jax.random.split(key, 4)
    user = jax.random.randint(k1, (BATCH,), 0, NUM_USERS, dtype=jnp.int64) if jax.config.jax_enable_x64 else jax.random.randint(k1, (BATCH,), 0, NUM_USERS).astype(jnp.int32)
    item = jax.random.randint(k2, (BATCH,), 0, NUM_ITEMS).astype(user.dtype)
    # Learned parameters (original init is zeros; use small random values so the
    # computation is non-degenerate for benchmarking).
    Gu = jax.random.normal(k3, (NUM_USERS, EMBED_K), dtype=jnp.float32) * 0.01
    Gi = jax.random.normal(k4, (NUM_ITEMS, EMBED_K), dtype=jnp.float32) * 0.01
    return {"Gu": Gu, "Gi": Gi, "user": user, "item": item}


def reference(Gu, Gi, user, item):
    # Faithful translation of DisenGCNModel.forward:
    #   gamma_u = squeeze(Gu[user]); gamma_i = squeeze(Gi[item])
    #   xui = sum(gamma_u * gamma_i, dim=1)
    gamma_u = jnp.take(Gu, user, axis=0)
    gamma_i = jnp.take(Gi, item, axis=0)
    # torch.squeeze is a no-op for [B, K] with B > 1 and K > 1
    xui = jnp.sum(gamma_u * gamma_i, axis=1)
    return (xui, gamma_u, gamma_i)

if __name__ == "__main__":
    import jax
    _d = setup_inputs()
    print(jax.jit(kernel)(*tuple(_d.values())))

</pallas_src>

<mosaic_0001>
#map = affine_map<(d0, d1) -> (0, 0)>
#map1 = affine_map<(d0, d1) -> (0, 0, 0)>
module attributes {stable_mosaic.version = 14 : i64} {
  func.func @_sc_body(%arg0: i32, %arg1: i32, %arg2: memref<100000x128xf32, #tpu.memory_space<hbm>>, %arg3: memref<32x4x128xi32, #tpu.memory_space<hbm>>, %arg4: memref<16384x128xf32, #tpu.memory_space<hbm>>, %arg5: memref<4x128xi32, #tpu.memory_space<vmem>>, %arg6: memref<512x128xf32, #tpu.memory_space<vmem>>, %arg7: memref<!tpu.dma_semaphore, #tpu.memory_space<semaphore_mem>>, %arg8: memref<!tpu.dma_semaphore, #tpu.memory_space<semaphore_mem>>, %arg9: memref<!tpu.dma_semaphore, #tpu.memory_space<semaphore_mem>>) attributes {dimension_semantics = [#tpu.dimension_semantics<core_parallel>, #tpu.dimension_semantics<subcore_parallel>], iteration_bounds = array<i64: 2, 16>, scalar_prefetch = 0 : i64, scratch_operands = 5 : i64, tpu.core_type = #tpu.core_type<sc_vector_subcore>, window_params = [{transform_indices = #map}, {transform_indices = #map1}, {transform_indices = #map}]} {
    %mul3A = arith.constant 2 : i32
    %mul3A_0 = arith.muli %arg1, %mul3A : i32
    %add3A = arith.addi %mul3A_0, %arg0 : i32
    %mul3A_1 = arith.constant 512 : i32
    %mul3A_2 = arith.muli %add3A, %mul3A_1 : i32
    %dma_start3A = arith.constant 0 : i32
    %dma_start3A_3 = arith.constant 0 : i32
    %dma_start3A_4 = tpu.memref_slice %arg3[%add3A, %dma_start3A, %dma_start3A_3] : memref<32x4x128xi32, #tpu.memory_space<hbm>> -> memref<1x4x128xi32, #tpu.memory_space<hbm>>
    %dma_start3A_5 = tpu.memref_squeeze %dma_start3A_4 : memref<1x4x128xi32, #tpu.memory_space<hbm>> -> memref<4x128xi32, #tpu.memory_space<hbm>>
    %dma_start3A_6 = arith.constant 0 : i32
    %dma_start3A_7 = arith.constant 0 : i32
    %dma_start3A_8 = tpu.memref_slice %arg3[%add3A, %dma_start3A_6, %dma_start3A_7] : memref<32x4x128xi32, #tpu.memory_space<hbm>> -> memref<1x4x128xi32, #tpu.memory_space<hbm>>
    %dma_start3A_9 = tpu.memref_squeeze %dma_start3A_8 : memref<1x4x128xi32, #tpu.memory_space<hbm>> -> memref<4x128xi32, #tpu.memory_space<hbm>>
    tpu.enqueue_dma source(%dma_start3A_9 : memref<4x128xi32, #tpu.memory_space<hbm>>) target(%arg5 : memref<4x128xi32, #tpu.memory_space<vmem>>) target_semaphore(%arg7 : memref<!tpu.dma_semaphore, #tpu.memory_space<semaphore_mem>>)
    %dma_wait3A = arith.constant 0 : i32
    %dma_wait3A_10 = arith.constant 0 : i32
    %dma_wait3A_11 = tpu.memref_slice %arg3[%add3A, %dma_wait3A, %dma_wait3A_10] : memref<32x4x128xi32, #tpu.memory_space<hbm>> -> memref<1x4x128xi32, #tpu.memory_space<hbm>>
    %dma_wait3A_12 = tpu.memref_squeeze %dma_wait3A_11 : memref<1x4x128xi32, #tpu.memory_space<hbm>> -> memref<4x128xi32, #tpu.memory_space<hbm>>
    %dma_wait3A_13 = arith.constant 0 : i32
    %dma_wait3A_14 = arith.constant 0 : i32
    %dma_wait3A_15 = tpu.memref_slice %arg3[%add3A, %dma_wait3A_13, %dma_wait3A_14] : memref<32x4x128xi32, #tpu.memory_space<hbm>> -> memref<1x4x128xi32, #tpu.memory_space<hbm>>
    %dma_wait3A_16 = tpu.memref_squeeze %dma_wait3A_15 : memref<1x4x128xi32, #tpu.memory_space<hbm>> -> memref<4x128xi32, #tpu.memory_space<hbm>>
    tpu.wait_dma2 semaphore(%arg7 : memref<!tpu.dma_semaphore, #tpu.memory_space<semaphore_mem>>) src(%dma_wait3A_16 : memref<4x128xi32, #tpu.memory_space<hbm>>) dst(%arg5 : memref<4x128xi32, #tpu.memory_space<vmem>>)
    %dma_start3A_17 = arith.constant 0 : i32
    %dma_start3A_18 = arith.constant 0 : i32
    %dma_start3A_19 = arith.constant 0 : i32
    %dma_start3A_20 = tpu.memref_slice %arg6[%dma_start3A_18, %dma_start3A_19] : memref<512x128xf32, #tpu.memory_space<vmem>> -> memref<128x128xf32, #tpu.memory_space<vmem>>
    %dma_start3A_21 = arith.constant 0 : i32
    %dma_start3A_22 = tpu.memref_slice %arg5[%dma_start3A_17, %dma_start3A_21] : memref<4x128xi32, #tpu.memory_space<vmem>> -> memref<1x128xi32, #tpu.memory_space<vmem>>
    %dma_start3A_23 = tpu.memref_squeeze %dma_start3A_22 : memref<1x128xi32, #tpu.memory_space<vmem>> -> memref<128xi32, #tpu.memory_space<vmem>>
    %dma_start3A_24 = arith.constant 0 : i32
    %dma_start3A_25 = arith.constant 0 : i32
    %dma_start3A_26 = tpu.memref_slice %arg2[%dma_start3A_24, %dma_start3A_25] : memref<100000x128xf32, #tpu.memory_space<hbm>> -> memref<100000x128xf32, #tpu.memory_space<hbm>>
    tpu.enqueue_indirect_dma source(%dma_start3A_26 : memref<100000x128xf32, #tpu.memory_space<hbm>>) target(%dma_start3A_20 : memref<128x128xf32, #tpu.memory_space<vmem>>) offsets(%dma_start3A_23 : memref<128xi32, #tpu.memory_space<vmem>>) semaphore(%arg8 : memref<!tpu.dma_semaphore, #tpu.memory_space<semaphore_mem>>)
    %dma_start3A_27 = arith.constant 1 : i32
    %dma_start3A_28 = arith.constant 128 : i32
    %dma_start3A_29 = arith.constant 0 : i32
    %dma_start3A_30 = tpu.memref_slice %arg6[%dma_start3A_28, %dma_start3A_29] : memref<512x128xf32, #tpu.memory_space<vmem>> -> memref<128x128xf32, #tpu.memory_space<vmem>>
    %dma_start3A_31 = arith.constant 0 : i32
    %dma_start3A_32 = tpu.memref_slice %arg5[%dma_start3A_27, %dma_start3A_31] : memref<4x128xi32, #tpu.memory_space<vmem>> -> memref<1x128xi32, #tpu.memory_space<vmem>>
    %dma_start3A_33 = tpu.memref_squeeze %dma_start3A_32 : memref<1x128xi32, #tpu.memory_space<vmem>> -> memref<128xi32, #tpu.memory_space<vmem>>
    %dma_start3A_34 = arith.constant 0 : i32
    %dma_start3A_35 = arith.constant 0 : i32
    %dma_start3A_36 = tpu.memref_slice %arg2[%dma_start3A_34, %dma_start3A_35] : memref<100000x128xf32, #tpu.memory_space<hbm>> -> memref<100000x128xf32, #tpu.memory_space<hbm>>
    tpu.enqueue_indirect_dma source(%dma_start3A_36 : memref<100000x128xf32, #tpu.memory_space<hbm>>) target(%dma_start3A_30 : memref<128x128xf32, #tpu.memory_space<vmem>>) offsets(%dma_start3A_33 : memref<128xi32, #tpu.memory_space<vmem>>) semaphore(%arg8 : memref<!tpu.dma_semaphore, #tpu.memory_space<semaphore_mem>>)
    %dma_start3A_37 = arith.constant 2 : i32
    %dma_start3A_38 = arith.constant 256 : i32
    %dma_start3A_39 = arith.constant 0 : i32
    %dma_start3A_40 = tpu.memref_slice %arg6[%dma_start3A_38, %dma_start3A_39] : memref<512x128xf32, #tpu.memory_space<vmem>> -> memref<128x128xf32, #tpu.memory_space<vmem>>
    %dma_start3A_41 = arith.constant 0 : i32
    %dma_start3A_42 = tpu.memref_slice %arg5[%dma_start3A_37, %dma_start3A_41] : memref<4x128xi32, #tpu.memory_space<vmem>> -> memref<1x128xi32, #tpu.memory_space<vmem>>
    %dma_start3A_43 = tpu.memref_squeeze %dma_start3A_42 : memref<1x128xi32, #tpu.memory_space<vmem>> -> memref<128xi32, #tpu.memory_space<vmem>>
    %dma_start3A_44 = arith.constant 0 : i32
    %dma_start3A_45 = arith.constant 0 : i32
    %dma_start3A_46 = tpu.memref_slice %arg2[%dma_start3A_44, %dma_start3A_45] : memref<100000x128xf32, #tpu.memory_space<hbm>> -> memref<100000x128xf32, #tpu.memory_space<hbm>>
    tpu.enqueue_indirect_dma source(%dma_start3A_46 : memref<100000x128xf32, #tpu.memory_space<hbm>>) target(%dma_start3A_40 : memref<128x128xf32, #tpu.memory_space<vmem>>) offsets(%dma_start3A_43 : memref<128xi32, #tpu.memory_space<vmem>>) semaphore(%arg8 : memref<!tpu.dma_semaphore, #tpu.memory_space<semaphore_mem>>)
    %dma_start3A_47 = arith.constant 3 : i32
    %dma_start3A_48 = arith.constant 384 : i32
    %dma_start3A_49 = arith.constant 0 : i32
    %dma_start3A_50 = tpu.memref_slice %arg6[%dma_start3A_48, %dma_start3A_49] : memref<512x128xf32, #tpu.memory_space<vmem>> -> memref<128x128xf32, #tpu.memory_space<vmem>>
    %dma_start3A_51 = arith.constant 0 : i32
    %dma_start3A_52 = tpu.memref_slice %arg5[%dma_start3A_47, %dma_start3A_51] : memref<4x128xi32, #tpu.memory_space<vmem>> -> memref<1x128xi32, #tpu.memory_space<vmem>>
    %dma_start3A_53 = tpu.memref_squeeze %dma_start3A_52 : memref<1x128xi32, #tpu.memory_space<vmem>> -> memref<128xi32, #tpu.memory_space<vmem>>
    %dma_start3A_54 = arith.constant 0 : i32
    %dma_start3A_55 = arith.constant 0 : i32
    %dma_start3A_56 = tpu.memref_slice %arg2[%dma_start3A_54, %dma_start3A_55] : memref<100000x128xf32, #tpu.memory_space<hbm>> -> memref<100000x128xf32, #tpu.memory_space<hbm>>
    tpu.enqueue_indirect_dma source(%dma_start3A_56 : memref<100000x128xf32, #tpu.memory_space<hbm>>) target(%dma_start3A_50 : memref<128x128xf32, #tpu.memory_space<vmem>>) offsets(%dma_start3A_53 : memref<128xi32, #tpu.memory_space<vmem>>) semaphore(%arg8 : memref<!tpu.dma_semaphore, #tpu.memory_space<semaphore_mem>>)
    %dma_wait3A_57 = arith.constant 0 : i32
    %dma_wait3A_58 = arith.constant 0 : i32
    %dma_wait3A_59 = arith.constant 0 : i32
    %dma_wait3A_60 = tpu.memref_slice %arg6[%dma_wait3A_58, %dma_wait3A_59] : memref<512x128xf32, #tpu.memory_space<vmem>> -> memref<128x128xf32, #tpu.memory_space<vmem>>
    %dma_wait3A_61 = arith.constant 0 : i32
    %dma_wait3A_62 = tpu.memref_slice %arg5[%dma_wait3A_57, %dma_wait3A_61] : memref<4x128xi32, #tpu.memory_space<vmem>> -> memref<1x128xi32, #tpu.memory_space<vmem>>
    %dma_wait3A_63 = tpu.memref_squeeze %dma_wait3A_62 : memref<1x128xi32, #tpu.memory_space<vmem>> -> memref<128xi32, #tpu.memory_space<vmem>>
    %dma_wait3A_64 = arith.constant 0 : i32
    %dma_wait3A_65 = arith.constant 0 : i32
    %dma_wait3A_66 = tpu.memref_slice %arg2[%dma_wait3A_64, %dma_wait3A_65] : memref<100000x128xf32, #tpu.memory_space<hbm>> -> memref<100000x128xf32, #tpu.memory_space<hbm>>
    tpu.wait_indirect_dma semaphore(%arg8 : memref<!tpu.dma_semaphore, #tpu.memory_space<semaphore_mem>>) src(%dma_wait3A_66 : memref<100000x128xf32, #tpu.memory_space<hbm>>) dst(%dma_wait3A_60 : memref<128x128xf32, #tpu.memory_space<vmem>>)
    %dma_wait3A_67 = arith.constant 1 : i32
    %dma_wait3A_68 = arith.constant 128 : i32
    %dma_wait3A_69 = arith.constant 0 : i32
    %dma_wait3A_70 = tpu.memref_slice %arg6[%dma_wait3A_68, %dma_wait3A_69] : memref<512x128xf32, #tpu.memory_space<vmem>> -> memref<128x128xf32, #tpu.memory_space<vmem>>
    %dma_wait3A_71 = arith.constant 0 : i32
    %dma_wait3A_72 = tpu.memref_slice %arg5[%dma_wait3A_67, %dma_wait3A_71] : memref<4x128xi32, #tpu.memory_space<vmem>> -> memref<1x128xi32, #tpu.memory_space<vmem>>
    %dma_wait3A_73 = tpu.memref_squeeze %dma_wait3A_72 : memref<1x128xi32, #tpu.memory_space<vmem>> -> memref<128xi32, #tpu.memory_space<vmem>>
    %dma_wait3A_74 = arith.constant 0 : i32
    %dma_wait3A_75 = arith.constant 0 : i32
    %dma_wait3A_76 = tpu.memref_slice %arg2[%dma_wait3A_74, %dma_wait3A_75] : memref<100000x128xf32, #tpu.memory_space<hbm>> -> memref<100000x128xf32, #tpu.memory_space<hbm>>
    tpu.wait_indirect_dma semaphore(%arg8 : memref<!tpu.dma_semaphore, #tpu.memory_space<semaphore_mem>>) src(%dma_wait3A_76 : memref<100000x128xf32, #tpu.memory_space<hbm>>) dst(%dma_wait3A_70 : memref<128x128xf32, #tpu.memory_space<vmem>>)
    %dma_wait3A_77 = arith.constant 2 : i32
    %dma_wait3A_78 = arith.constant 256 : i32
    %dma_wait3A_79 = arith.constant 0 : i32
    %dma_wait3A_80 = tpu.memref_slice %arg6[%dma_wait3A_78, %dma_wait3A_79] : memref<512x128xf32, #tpu.memory_space<vmem>> -> memref<128x128xf32, #tpu.memory_space<vmem>>
    %dma_wait3A_81 = arith.constant 0 : i32
    %dma_wait3A_82 = tpu.memref_slice %arg5[%dma_wait3A_77, %dma_wait3A_81] : memref<4x128xi32, #tpu.memory_space<vmem>> -> memref<1x128xi32, #tpu.memory_space<vmem>>
    %dma_wait3A_83 = tpu.memref_squeeze %dma_wait3A_82 : memref<1x128xi32, #tpu.memory_space<vmem>> -> memref<128xi32, #tpu.memory_space<vmem>>
    %dma_wait3A_84 = arith.constant 0 : i32
    %dma_wait3A_85 = arith.constant 0 : i32
    %dma_wait3A_86 = tpu.memref_slice %arg2[%dma_wait3A_84, %dma_wait3A_85] : memref<100000x128xf32, #tpu.memory_space<hbm>> -> memref<100000x128xf32, #tpu.memory_space<hbm>>
    tpu.wait_indirect_dma semaphore(%arg8 : memref<!tpu.dma_semaphore, #tpu.memory_space<semaphore_mem>>) src(%dma_wait3A_86 : memref<100000x128xf32, #tpu.memory_space<hbm>>) dst(%dma_wait3A_80 : memref<128x128xf32, #tpu.memory_space<vmem>>)
    %dma_wait3A_87 = arith.constant 3 : i32
    %dma_wait3A_88 = arith.constant 384 : i32
    %dma_wait3A_89 = arith.constant 0 : i32
    %dma_wait3A_90 = tpu.memref_slice %arg6[%dma_wait3A_88, %dma_wait3A_89] : memref<512x128xf32, #tpu.memory_space<vmem>> -> memref<128x128xf32, #tpu.memory_space<vmem>>
    %dma_wait3A_91 = arith.constant 0 : i32
    %dma_wait3A_92 = tpu.memref_slice %arg5[%dma_wait3A_87, %dma_wait3A_91] : memref<4x128xi32, #tpu.memory_space<vmem>> -> memref<1x128xi32, #tpu.memory_space<vmem>>
    %dma_wait3A_93 = tpu.memref_squeeze %dma_wait3A_92 : memref<1x128xi32, #tpu.memory_space<vmem>> -> memref<128xi32, #tpu.memory_space<vmem>>
    %dma_wait3A_94 = arith.constant 0 : i32
    %dma_wait3A_95 = arith.constant 0 : i32
    %dma_wait3A_96 = tpu.memref_slice %arg2[%dma_wait3A_94, %dma_wait3A_95] : memref<100000x128xf32, #tpu.memory_space<hbm>> -> memref<100000x128xf32, #tpu.memory_space<hbm>>
    tpu.wait_indirect_dma semaphore(%arg8 : memref<!tpu.dma_semaphore, #tpu.memory_space<semaphore_mem>>) src(%dma_wait3A_96 : memref<100000x128xf32, #tpu.memory_space<hbm>>) dst(%dma_wait3A_90 : memref<128x128xf32, #tpu.memory_space<vmem>>)
    %dma_start3A_97 = arith.constant 0 : i32
    %dma_start3A_98 = tpu.memref_slice %arg4[%mul3A_2, %dma_start3A_97] : memref<16384x128xf32, #tpu.memory_space<hbm>> -> memref<512x128xf32, #tpu.memory_space<hbm>>
    %dma_start3A_99 = arith.constant 0 : i32
    %dma_start3A_100 = tpu.memref_slice %arg4[%mul3A_2, %dma_start3A_99] : memref<16384x128xf32, #tpu.memory_space<hbm>> -> memref<512x128xf32, #tpu.memory_space<hbm>>
    tpu.enqueue_dma source(%arg6 : memref<512x128xf32, #tpu.memory_space<vmem>>) target(%dma_start3A_100 : memref<512x128xf32, #tpu.memory_space<hbm>>) target_semaphore(%arg9 : memref<!tpu.dma_semaphore, #tpu.memory_space<semaphore_mem>>)
    %dma_wait3A_101 = arith.constant 0 : i32
    %dma_wait3A_102 = tpu.memref_slice %arg4[%mul3A_2, %dma_wait3A_101] : memref<16384x128xf32, #tpu.memory_space<hbm>> -> memref<512x128xf32, #tpu.memory_space<hbm>>
    %dma_wait3A_103 = arith.constant 0 : i32
    %dma_wait3A_104 = tpu.memref_slice %arg4[%mul3A_2, %dma_wait3A_103] : memref<16384x128xf32, #tpu.memory_space<hbm>> -> memref<512x128xf32, #tpu.memory_space<hbm>>
    tpu.wait_dma2 semaphore(%arg9 : memref<!tpu.dma_semaphore, #tpu.memory_space<semaphore_mem>>) src(%arg6 : memref<512x128xf32, #tpu.memory_space<vmem>>) dst(%dma_wait3A_104 : memref<512x128xf32, #tpu.memory_space<hbm>>)
    return
  }
}

#map = affine_map<(d0, d1) -> (0, 0)>
#map1 = affine_map<(d0, d1) -> (0, 0, 0)>
module attributes {stable_mosaic.version = 14 : i64} {
  func.func @_sc_body(%arg0: i32, %arg1: i32, %arg2: memref<100000x128xf32, #tpu.memory_space<hbm>>, %arg3: memref<32x4x128xi32, #tpu.memory_space<hbm>>, %arg4: memref<16384x128xf32, #tpu.memory_space<hbm>>, %arg5: memref<4x128xi32, #tpu.memory_space<vmem>>, %arg6: memref<512x128xf32, #tpu.memory_space<vmem>>, %arg7: memref<!tpu.dma_semaphore, #tpu.memory_space<semaphore_mem>>, %arg8: memref<!tpu.dma_semaphore, #tpu.memory_space<semaphore_mem>>, %arg9: memref<!tpu.dma_semaphore, #tpu.memory_space<semaphore_mem>>) attributes {dimension_semantics = [#tpu.dimension_semantics<core_parallel>, #tpu.dimension_semantics<subcore_parallel>], iteration_bounds = array<i64: 2, 16>, scalar_prefetch = 0 : i64, scratch_operands = 5 : i64, tpu.core_type = #tpu.core_type<sc_vector_subcore>, window_params = [{transform_indices = #map}, {transform_indices = #map1}, {transform_indices = #map}]} {
    %mul3A = arith.constant 2 : i32
    %mul3A_0 = arith.muli %arg1, %mul3A : i32
    %add3A = arith.addi %mul3A_0, %arg0 : i32
    %mul3A_1 = arith.constant 512 : i32
    %mul3A_2 = arith.muli %add3A, %mul3A_1 : i32
    %dma_start3A = arith.constant 0 : i32
    %dma_start3A_3 = arith.constant 0 : i32
    %dma_start3A_4 = tpu.memref_slice %arg3[%add3A, %dma_start3A, %dma_start3A_3] : memref<32x4x128xi32, #tpu.memory_space<hbm>> -> memref<1x4x128xi32, #tpu.memory_space<hbm>>
    %dma_start3A_5 = tpu.memref_squeeze %dma_start3A_4 : memref<1x4x128xi32, #tpu.memory_space<hbm>> -> memref<4x128xi32, #tpu.memory_space<hbm>>
    %dma_start3A_6 = arith.constant 0 : i32
    %dma_start3A_7 = arith.constant 0 : i32
    %dma_start3A_8 = tpu.memref_slice %arg3[%add3A, %dma_start3A_6, %dma_start3A_7] : memref<32x4x128xi32, #tpu.memory_space<hbm>> -> memref<1x4x128xi32, #tpu.memory_space<hbm>>
    %dma_start3A_9 = tpu.memref_squeeze %dma_start3A_8 : memref<1x4x128xi32, #tpu.memory_space<hbm>> -> memref<4x128xi32, #tpu.memory_space<hbm>>
    tpu.enqueue_dma source(%dma_start3A_9 : memref<4x128xi32, #tpu.memory_space<hbm>>) target(%arg5 : memref<4x128xi32, #tpu.memory_space<vmem>>) target_semaphore(%arg7 : memref<!tpu.dma_semaphore, #tpu.memory_space<semaphore_mem>>)
    %dma_wait3A = arith.constant 0 : i32
    %dma_wait3A_10 = arith.constant 0 : i32
    %dma_wait3A_11 = tpu.memref_slice %arg3[%add3A, %dma_wait3A, %dma_wait3A_10] : memref<32x4x128xi32, #tpu.memory_space<hbm>> -> memref<1x4x128xi32, #tpu.memory_space<hbm>>
    %dma_wait3A_12 = tpu.memref_squeeze %dma_wait3A_11 : memref<1x4x128xi32, #tpu.memory_space<hbm>> -> memref<4x128xi32, #tpu.memory_space<hbm>>
    %dma_wait3A_13 = arith.constant 0 : i32
    %dma_wait3A_14 = arith.constant 0 : i32
    %dma_wait3A_15 = tpu.memref_slice %arg3[%add3A, %dma_wait3A_13, %dma_wait3A_14] : memref<32x4x128xi32, #tpu.memory_space<hbm>> -> memref<1x4x128xi32, #tpu.memory_space<hbm>>
    %dma_wait3A_16 = tpu.memref_squeeze %dma_wait3A_15 : memref<1x4x128xi32, #tpu.memory_space<hbm>> -> memref<4x128xi32, #tpu.memory_space<hbm>>
    tpu.wait_dma2 semaphore(%arg7 : memref<!tpu.dma_semaphore, #tpu.memory_space<semaphore_mem>>) src(%dma_wait3A_16 : memref<4x128xi32, #tpu.memory_space<hbm>>) dst(%arg5 : memref<4x128xi32, #tpu.memory_space<vmem>>)
    %dma_start3A_17 = arith.constant 0 : i32
    %dma_start3A_18 = arith.constant 0 : i32
    %dma_start3A_19 = arith.constant 0 : i32
    %dma_start3A_20 = tpu.memref_slice %arg6[%dma_start3A_18, %dma_start3A_19] : memref<512x128xf32, #tpu.memory_space<vmem>> -> memref<128x128xf32, #tpu.memory_space<vmem>>
    %dma_start3A_21 = arith.constant 0 : i32
    %dma_start3A_22 = tpu.memref_slice %arg5[%dma_start3A_17, %dma_start3A_21] : memref<4x128xi32, #tpu.memory_space<vmem>> -> memref<1x128xi32, #tpu.memory_space<vmem>>
    %dma_start3A_23 = tpu.memref_squeeze %dma_start3A_22 : memref<1x128xi32, #tpu.memory_space<vmem>> -> memref<128xi32, #tpu.memory_space<vmem>>
    %dma_start3A_24 = arith.constant 0 : i32
    %dma_start3A_25 = arith.constant 0 : i32
    %dma_start3A_26 = tpu.memref_slice %arg2[%dma_start3A_24, %dma_start3A_25] : memref<100000x128xf32, #tpu.memory_space<hbm>> -> memref<100000x128xf32, #tpu.memory_space<hbm>>
    tpu.enqueue_indirect_dma source(%dma_start3A_26 : memref<100000x128xf32, #tpu.memory_space<hbm>>) target(%dma_start3A_20 : memref<128x128xf32, #tpu.memory_space<vmem>>) offsets(%dma_start3A_23 : memref<128xi32, #tpu.memory_space<vmem>>) semaphore(%arg8 : memref<!tpu.dma_semaphore, #tpu.memory_space<semaphore_mem>>)
    %dma_start3A_27 = arith.constant 1 : i32
    %dma_start3A_28 = arith.constant 128 : i32
    %dma_start3A_29 = arith.constant 0 : i32
    %dma_start3A_30 = tpu.memref_slice %arg6[%dma_start3A_28, %dma_start3A_29] : memref<512x128xf32, #tpu.memory_space<vmem>> -> memref<128x128xf32, #tpu.memory_space<vmem>>
    %dma_start3A_31 = arith.constant 0 : i32
    %dma_start3A_32 = tpu.memref_slice %arg5[%dma_start3A_27, %dma_start3A_31] : memref<4x128xi32, #tpu.memory_space<vmem>> -> memref<1x128xi32, #tpu.memory_space<vmem>>
    %dma_start3A_33 = tpu.memref_squeeze %dma_start3A_32 : memref<1x128xi32, #tpu.memory_space<vmem>> -> memref<128xi32, #tpu.memory_space<vmem>>
    %dma_start3A_34 = arith.constant 0 : i32
    %dma_start3A_35 = arith.constant 0 : i32
    %dma_start3A_36 = tpu.memref_slice %arg2[%dma_start3A_34, %dma_start3A_35] : memref<100000x128xf32, #tpu.memory_space<hbm>> -> memref<100000x128xf32, #tpu.memory_space<hbm>>
    tpu.enqueue_indirect_dma source(%dma_start3A_36 : memref<100000x128xf32, #tpu.memory_space<hbm>>) target(%dma_start3A_30 : memref<128x128xf32, #tpu.memory_space<vmem>>) offsets(%dma_start3A_33 : memref<128xi32, #tpu.memory_space<vmem>>) semaphore(%arg8 : memref<!tpu.dma_semaphore, #tpu.memory_space<semaphore_mem>>)
    %dma_start3A_37 = arith.constant 2 : i32
    %dma_start3A_38 = arith.constant 256 : i32
    %dma_start3A_39 = arith.constant 0 : i32
    %dma_start3A_40 = tpu.memref_slice %arg6[%dma_start3A_38, %dma_start3A_39] : memref<512x128xf32, #tpu.memory_space<vmem>> -> memref<128x128xf32, #tpu.memory_space<vmem>>
    %dma_start3A_41 = arith.constant 0 : i32
    %dma_start3A_42 = tpu.memref_slice %arg5[%dma_start3A_37, %dma_start3A_41] : memref<4x128xi32, #tpu.memory_space<vmem>> -> memref<1x128xi32, #tpu.memory_space<vmem>>
    %dma_start3A_43 = tpu.memref_squeeze %dma_start3A_42 : memref<1x128xi32, #tpu.memory_space<vmem>> -> memref<128xi32, #tpu.memory_space<vmem>>
    %dma_start3A_44 = arith.constant 0 : i32
    %dma_start3A_45 = arith.constant 0 : i32
    %dma_start3A_46 = tpu.memref_slice %arg2[%dma_start3A_44, %dma_start3A_45] : memref<100000x128xf32, #tpu.memory_space<hbm>> -> memref<100000x128xf32, #tpu.memory_space<hbm>>
    tpu.enqueue_indirect_dma source(%dma_start3A_46 : memref<100000x128xf32, #tpu.memory_space<hbm>>) target(%dma_start3A_40 : memref<128x128xf32, #tpu.memory_space<vmem>>) offsets(%dma_start3A_43 : memref<128xi32, #tpu.memory_space<vmem>>) semaphore(%arg8 : memref<!tpu.dma_semaphore, #tpu.memory_space<semaphore_mem>>)
    %dma_start3A_47 = arith.constant 3 : i32
    %dma_start3A_48 = arith.constant 384 : i32
    %dma_start3A_49 = arith.constant 0 : i32
    %dma_start3A_50 = tpu.memref_slice %arg6[%dma_start3A_48, %dma_start3A_49] : memref<512x128xf32, #tpu.memory_space<vmem>> -> memref<128x128xf32, #tpu.memory_space<vmem>>
    %dma_start3A_51 = arith.constant 0 : i32
    %dma_start3A_52 = tpu.memref_slice %arg5[%dma_start3A_47, %dma_start3A_51] : memref<4x128xi32, #tpu.memory_space<vmem>> -> memref<1x128xi32, #tpu.memory_space<vmem>>
    %dma_start3A_53 = tpu.memref_squeeze %dma_start3A_52 : memref<1x128xi32, #tpu.memory_space<vmem>> -> memref<128xi32, #tpu.memory_space<vmem>>
    %dma_start3A_54 = arith.constant 0 : i32
    %dma_start3A_55 = arith.constant 0 : i32
    %dma_start3A_56 = tpu.memref_slice %arg2[%dma_start3A_54, %dma_start3A_55] : memref<100000x128xf32, #tpu.memory_space<hbm>> -> memref<100000x128xf32, #tpu.memory_space<hbm>>
    tpu.enqueue_indirect_dma source(%dma_start3A_56 : memref<100000x128xf32, #tpu.memory_space<hbm>>) target(%dma_start3A_50 : memref<128x128xf32, #tpu.memory_space<vmem>>) offsets(%dma_start3A_53 : memref<128xi32, #tpu.memory_space<vmem>>) semaphore(%arg8 : memref<!tpu.dma_semaphore, #tpu.memory_space<semaphore_mem>>)
    %dma_wait3A_57 = arith.constant 0 : i32
    %dma_wait3A_58 = arith.constant 0 : i32
    %dma_wait3A_59 = arith.constant 0 : i32
    %dma_wait3A_60 = tpu.memref_slice %arg6[%dma_wait3A_58, %dma_wait3A_59] : memref<512x128xf32, #tpu.memory_space<vmem>> -> memref<128x128xf32, #tpu.memory_space<vmem>>
    %dma_wait3A_61 = arith.constant 0 : i32
    %dma_wait3A_62 = tpu.memref_slice %arg5[%dma_wait3A_57, %dma_wait3A_61] : memref<4x128xi32, #tpu.memory_space<vmem>> -> memref<1x128xi32, #tpu.memory_space<vmem>>
    %dma_wait3A_63 = tpu.memref_squeeze %dma_wait3A_62 : memref<1x128xi32, #tpu.memory_space<vmem>> -> memref<128xi32, #tpu.memory_space<vmem>>
    %dma_wait3A_64 = arith.constant 0 : i32
    %dma_wait3A_65 = arith.constant 0 : i32
    %dma_wait3A_66 = tpu.memref_slice %arg2[%dma_wait3A_64, %dma_wait3A_65] : memref<100000x128xf32, #tpu.memory_space<hbm>> -> memref<100000x128xf32, #tpu.memory_space<hbm>>
    tpu.wait_indirect_dma semaphore(%arg8 : memref<!tpu.dma_semaphore, #tpu.memory_space<semaphore_mem>>) src(%dma_wait3A_66 : memref<100000x128xf32, #tpu.memory_space<hbm>>) dst(%dma_wait3A_60 : memref<128x128xf32, #tpu.memory_space<vmem>>)
    %dma_wait3A_67 = arith.constant 1 : i32
    %dma_wait3A_68 = arith.constant 128 : i32
    %dma_wait3A_69 = arith.constant 0 : i32
    %dma_wait3A_70 = tpu.memref_slice %arg6[%dma_wait3A_68, %dma_wait3A_69] : memref<512x128xf32, #tpu.memory_space<vmem>> -> memref<128x128xf32, #tpu.memory_space<vmem>>
    %dma_wait3A_71 = arith.constant 0 : i32
    %dma_wait3A_72 = tpu.memref_slice %arg5[%dma_wait3A_67, %dma_wait3A_71] : memref<4x128xi32, #tpu.memory_space<vmem>> -> memref<1x128xi32, #tpu.memory_space<vmem>>
    %dma_wait3A_73 = tpu.memref_squeeze %dma_wait3A_72 : memref<1x128xi32, #tpu.memory_space<vmem>> -> memref<128xi32, #tpu.memory_space<vmem>>
    %dma_wait3A_74 = arith.constant 0 : i32
    %dma_wait3A_75 = arith.constant 0 : i32
    %dma_wait3A_76 = tpu.memref_slice %arg2[%dma_wait3A_74, %dma_wait3A_75] : memref<100000x128xf32, #tpu.memory_space<hbm>> -> memref<100000x128xf32, #tpu.memory_space<hbm>>
    tpu.wait_indirect_dma semaphore(%arg8 : memref<!tpu.dma_semaphore, #tpu.memory_space<semaphore_mem>>) src(%dma_wait3A_76 : memref<100000x128xf32, #tpu.memory_space<hbm>>) dst(%dma_wait3A_70 : memref<128x128xf32, #tpu.memory_space<vmem>>)
    %dma_wait3A_77 = arith.constant 2 : i32
    %dma_wait3A_78 = arith.constant 256 : i32
    %dma_wait3A_79 = arith.constant 0 : i32
    %dma_wait3A_80 = tpu.memref_slice %arg6[%dma_wait3A_78, %dma_wait3A_79] : memref<512x128xf32, #tpu.memory_space<vmem>> -> memref<128x128xf32, #tpu.memory_space<vmem>>
    %dma_wait3A_81 = arith.constant 0 : i32
    %dma_wait3A_82 = tpu.memref_slice %arg5[%dma_wait3A_77, %dma_wait3A_81] : memref<4x128xi32, #tpu.memory_space<vmem>> -> memref<1x128xi32, #tpu.memory_space<vmem>>
    %dma_wait3A_83 = tpu.memref_squeeze %dma_wait3A_82 : memref<1x128xi32, #tpu.memory_space<vmem>> -> memref<128xi32, #tpu.memory_space<vmem>>
    %dma_wait3A_84 = arith.constant 0 : i32
    %dma_wait3A_85 = arith.constant 0 : i32
    %dma_wait3A_86 = tpu.memref_slice %arg2[%dma_wait3A_84, %dma_wait3A_85] : memref<100000x128xf32, #tpu.memory_space<hbm>> -> memref<100000x128xf32, #tpu.memory_space<hbm>>
    tpu.wait_indirect_dma semaphore(%arg8 : memref<!tpu.dma_semaphore, #tpu.memory_space<semaphore_mem>>) src(%dma_wait3A_86 : memref<100000x128xf32, #tpu.memory_space<hbm>>) dst(%dma_wait3A_80 : memref<128x128xf32, #tpu.memory_space<vmem>>)
    %dma_wait3A_87 = arith.constant 3 : i32
    %dma_wait3A_88 = arith.constant 384 : i32
    %dma_wait3A_89 = arith.constant 0 : i32
    %dma_wait3A_90 = tpu.memref_slice %arg6[%dma_wait3A_88, %dma_wait3A_89] : memref<512x128xf32, #tpu.memory_space<vmem>> -> memref<128x128xf32, #tpu.memory_space<vmem>>
    %dma_wait3A_91 = arith.constant 0 : i32
    %dma_wait3A_92 = tpu.memref_slice %arg5[%dma_wait3A_87, %dma_wait3A_91] : memref<4x128xi32, #tpu.memory_space<vmem>> -> memref<1x128xi32, #tpu.memory_space<vmem>>
    %dma_wait3A_93 = tpu.memref_squeeze %dma_wait3A_92 : memref<1x128xi32, #tpu.memory_space<vmem>> -> memref<128xi32, #tpu.memory_space<vmem>>
    %dma_wait3A_94 = arith.constant 0 : i32
    %dma_wait3A_95 = arith.constant 0 : i32
    %dma_wait3A_96 = tpu.memref_slice %arg2[%dma_wait3A_94, %dma_wait3A_95] : memref<100000x128xf32, #tpu.memory_space<hbm>> -> memref<100000x128xf32, #tpu.memory_space<hbm>>
    tpu.wait_indirect_dma semaphore(%arg8 : memref<!tpu.dma_semaphore, #tpu.memory_space<semaphore_mem>>) src(%dma_wait3A_96 : memref<100000x128xf32, #tpu.memory_space<hbm>>) dst(%dma_wait3A_90 : memref<128x128xf32, #tpu.memory_space<vmem>>)
    %dma_start3A_97 = arith.constant 0 : i32
    %dma_start3A_98 = tpu.memref_slice %arg4[%mul3A_2, %dma_start3A_97] : memref<16384x128xf32, #tpu.memory_space<hbm>> -> memref<512x128xf32, #tpu.memory_space<hbm>>
    %dma_start3A_99 = arith.constant 0 : i32
    %dma_start3A_100 = tpu.memref_slice %arg4[%mul3A_2, %dma_start3A_99] : memref<16384x128xf32, #tpu.memory_space<hbm>> -> memref<512x128xf32, #tpu.memory_space<hbm>>
    tpu.enqueue_dma source(%arg6 : memref<512x128xf32, #tpu.memory_space<vmem>>) target(%dma_start3A_100 : memref<512x128xf32, #tpu.memory_space<hbm>>) target_semaphore(%arg9 : memref<!tpu.dma_semaphore, #tpu.memory_space<semaphore_mem>>)
    %dma_wait3A_101 = arith.constant 0 : i32
    %dma_wait3A_102 = tpu.memref_slice %arg4[%mul3A_2, %dma_wait3A_101] : memref<16384x128xf32, #tpu.memory_space<hbm>> -> memref<512x128xf32, #tpu.memory_space<hbm>>
    %dma_wait3A_103 = arith.constant 0 : i32
    %dma_wait3A_104 = tpu.memref_slice %arg4[%mul3A_2, %dma_wait3A_103] : memref<16384x128xf32, #tpu.memory_space<hbm>> -> memref<512x128xf32, #tpu.memory_space<hbm>>
    tpu.wait_dma2 semaphore(%arg9 : memref<!tpu.dma_semaphore, #tpu.memory_space<semaphore_mem>>) src(%arg6 : memref<512x128xf32, #tpu.memory_space<vmem>>) dst(%dma_wait3A_104 : memref<512x128xf32, #tpu.memory_space<hbm>>)
    return
  }
}

module attributes {stable_mosaic.version = 14 : i64} {
  func.func @_tc_body(%arg0: i32, %arg1: memref<4096x128xf32, #tpu.memory_space<vmem>>, %arg2: memref<4096x128xf32, #tpu.memory_space<vmem>>, %arg3: memref<4096xf32, #tpu.memory_space<vmem>>, %arg4: memref<64x4096xf32, #tpu.memory_space<vmem>>, %arg5: memref<64x4096xf32, #tpu.memory_space<vmem>>) attributes {dimension_semantics = [#tpu.dimension_semantics<arbitrary>], iteration_bounds = array<i64: 4>, scalar_prefetch = 0 : i64, scratch_operands = 0 : i64, tpu.core_type = #tpu.core_type<tc>, window_params = [{transform_indices = @transform_0, window_bounds = array<i64: 4096, 128>}, {transform_indices = @transform_1, window_bounds = array<i64: 4096, 128>}, {transform_indices = @transform_2, window_bounds = array<i64: 4096>}, {transform_indices = @transform_3, window_bounds = array<i64: 64, 4096>}, {transform_indices = @transform_4, window_bounds = array<i64: 64, 4096>}]} {
    %get3A = arith.constant 0 : index
    %get3A_0 = arith.constant 0 : index
    %get3A_1 = vector.load %arg1[%get3A, %get3A_0] : memref<4096x128xf32, #tpu.memory_space<vmem>>, vector<4096x64xf32>
    %get3A_2 = arith.constant 0 : index
    %get3A_3 = arith.constant 0 : index
    %get3A_4 = vector.load %arg2[%get3A_2, %get3A_3] : memref<4096x128xf32, #tpu.memory_space<vmem>>, vector<4096x64xf32>
    %mul3A = arith.mulf %get3A_1, %get3A_4 : vector<4096x64xf32>
    %reduce_sum3A = arith.constant dense<0.000000e+00> : vector<4096xf32>
    %reduce_sum3A_5 = vector.multi_reduction <add>, %mul3A, %reduce_sum3A [1] : vector<4096x64xf32> to vector<4096xf32>
    %swap3A = arith.constant 0 : index
    %swap3A_6 = vector.load %arg3[%swap3A] : memref<4096xf32, #tpu.memory_space<vmem>>, vector<4096xf32>
    tpu.vector_store %arg3[%swap3A], %reduce_sum3A_5 {strides = array<i32>} : memref<4096xf32, #tpu.memory_space<vmem>>, vector<4096xf32>,
    %transpose3A = tpu.transpose %get3A_1, [1, 0] : vector<4096x64xf32> -> vector<64x4096xf32>
    %swap3A_7 = arith.constant 0 : index
    %swap3A_8 = arith.constant 0 : index
    %swap3A_9 = vector.load %arg4[%swap3A_7, %swap3A_8] : memref<64x4096xf32, #tpu.memory_space<vmem>>, vector<64x4096xf32>
    tpu.vector_store %arg4[%swap3A_7, %swap3A_8], %transpose3A {strides = array<i32>} : memref<64x4096xf32, #tpu.memory_space<vmem>>, vector<64x4096xf32>,
    %transpose3A_10 = tpu.transpose %get3A_4, [1, 0] : vector<4096x64xf32> -> vector<64x4096xf32>
    %swap3A_11 = arith.constant 0 : index
    %swap3A_12 = arith.constant 0 : index
    %swap3A_13 = vector.load %arg5[%swap3A_11, %swap3A_12] : memref<64x4096xf32, #tpu.memory_space<vmem>>, vector<64x4096xf32>
    tpu.vector_store %arg5[%swap3A_11, %swap3A_12], %transpose3A_10 {strides = array<i32>} : memref<64x4096xf32, #tpu.memory_space<vmem>>, vector<64x4096xf32>,
    return
  }
  func.func @transform_0(%arg0: i32) -> (i32, i32) {
    %c0_i32 = arith.constant 0 : i32
    %c0_i32_0 = arith.constant 0 : i32
    return %arg0, %c0_i32 : i32, i32
  }
  func.func @transform_1(%arg0: i32) -> (i32, i32) {
    %c0_i32 = arith.constant 0 : i32
    %c0_i32_0 = arith.constant 0 : i32
    return %arg0, %c0_i32 : i32, i32
  }
  func.func @transform_2(%arg0: i32) -> i32 {
    %c0_i32 = arith.constant 0 : i32
    return %arg0 : i32
  }
  func.func @transform_3(%arg0: i32) -> (i32, i32) {
    %c0_i32 = arith.constant 0 : i32
    %c0_i32_0 = arith.constant 0 : i32
    return %c0_i32, %arg0 : i32, i32
  }
  func.func @transform_4(%arg0: i32) -> (i32, i32) {
    %c0_i32 = arith.constant 0 : i32
    %c0_i32_0 = arith.constant 0 : i32
    return %c0_i32, %arg0 : i32, i32
  }
}

module attributes {stable_mosaic.version = 14 : i64} {
  func.func @_tr_body(%arg0: i32, %arg1: memref<64x16384xf32, #tpu.memory_space<vmem>>, %arg2: memref<16384x128xf32, #tpu.memory_space<vmem>>) attributes {dimension_semantics = [#tpu.dimension_semantics<arbitrary>], iteration_bounds = array<i64: 7>, scalar_prefetch = 0 : i64, scratch_operands = 0 : i64, tpu.core_type = #tpu.core_type<tc>, window_params = [{transform_indices = @transform_0, window_bounds = array<i64: 64, 16384>}, {transform_indices = @transform_1, window_bounds = array<i64: 16384, 128>}]} {
    %get3A = arith.constant 0 : index
    %get3A_0 = arith.constant 0 : index
    %get3A_1 = vector.load %arg1[%get3A, %get3A_0] : memref<64x16384xf32, #tpu.memory_space<vmem>>, vector<64x16384xf32>
    %transpose3A = tpu.transpose %get3A_1, [1, 0] : vector<64x16384xf32> -> vector<16384x64xf32>
    %swap3A = arith.constant 0 : index
    %swap3A_2 = arith.constant 0 : index
    %swap3A_3 = vector.load %arg2[%swap3A, %swap3A_2] : memref<16384x128xf32, #tpu.memory_space<vmem>>, vector<16384x64xf32>
    tpu.vector_store %arg2[%swap3A, %swap3A_2], %transpose3A {strides = array<i32>} : memref<16384x128xf32, #tpu.memory_space<vmem>>, vector<16384x64xf32>,
    return
  }
  func.func @transform_0(%arg0: i32) -> (i32, i32) {
    %c0_i32 = arith.constant 0 : i32
    %c0_i32_0 = arith.constant 0 : i32
    return %c0_i32, %arg0 : i32, i32
  }
  func.func @transform_1(%arg0: i32) -> (i32, i32) {
    %c0_i32 = arith.constant 0 : i32
    %c0_i32_0 = arith.constant 0 : i32
    return %arg0, %c0_i32 : i32, i32
  }
}

</mosaic_0001>

<sc_bundles>
// kernel: _run.10.cloned.1.call-start
scs
__scs_entry_jumppad:
0x0: {  	(pc) =	sbr.rel $0x88, $3  }
0x1: {  	(tag) =	ssettag $0x0;
	lr =	simm.s32 $0x1  }
0x2: {  	[smem:$0x3F9D] =	sst lr;
	_ =	strace $0xD0000000  }
0x3: {  	_ = 	snop  }
0x4: {  	_ = 	snop  }
0x5: {  	_ = 	snop  }
0x6: {  	_ = 	snop  }
0x7: {  	_ = 	snop  }
__scs_overlays_trampoline_lowered:
0x8: {  	[smem:$0x3FAC] =	sst s0  }
0x9: {  	[smem:$0x3FAD] =	sst s1  }
0xa: {  	[smem:$0x3FAE] =	sst s2  }
0xb: {  	[smem:$0x3FAF] =	sst s3  }
0xc: {  	[smem:$0x3FB0] =	sst s4  }
0xd: {  	[smem:$0x3FB1] =	sst s5  }
0xe: {  	[smem:$0x3FB2] =	sst s6  }
0xf: {  	[smem:$0x3FB3] =	sst s7  }
0x10: {  	[smem:$0x3FB4] =	sst s8  }
0x11: {  	[smem:$0x3FB5] =	sst s9;
	s0 =	simm.s32 @!p0 $0x0  }
0x12: {  	s1 =	sld [smem:$0x3F9B];
	s0 =	simm.s32 @p0 $0x1  }
0x13: {  	[smem:$0x3FB6] =	sst s0;
	s0 =	simm.s32 @!p1 $0x0  }
0x14: {  	s2 =	sld [smem:$0x3F9A];
	s0 =	simm.s32 @p1 $0x1  }
0x15: {  	[smem:$0x3FB7] =	sst s0;
	s0 =	simm.s32 @!p2 $0x0  }
0x16: {  	s3 =	sld [smem:$0x3FDB];
	s0 =	simm.s32 @p2 $0x1  }
0x17: {  	s4 =	simm.s32 $0x1BF5;
	[smem:$0x3FB9] =	sst s0  }
0x18: {  	s0 =	sld [smem:$0x3F9C];
	_ =	swait.ge [sflag:s4], $0x0  }
0x19: {  	s7 =	sld [smem:$0x3F9D]  }
0x1a: {  	s8 =	sadd.s32 $0xFFFFE003, lr  }
0x1b: {  	s9 =	sadd.s32 $0xFFFFFEF7, lr;
	s5 =	simm.s32 $0xFFFFFFFF;
	p2 =	slt.u32 s8, $0xFFFFF086  }
0x1c: {  	p1 =	slt.u32 s9, $0xF7A;
	s5 =	simm.s32 @!p2 $0x0  }
0x1d: {  	s5 =	simm.s32 @p1 $0x1;
	p0 =	seq.s32 s7, s2  }
0x1e: {  	s7 =	smul.u32 @!p0 $0xF7A, s2;
	p2 =	seq.s32 @!p0 s5, $0x0  }
0x1f: {  	s9 =	smul.u32 $0xF7A, s1;
	s8 =	simm.s32 @!p0 $0x1BF5;
	p2 =	por !p2, p0  }
0x20: {  	[sflag:s8] =	ssyncset.s32 @!p0 $0xFFFFF086;
	s6 =	sadd.s32 @!p0 s3, s7;
	s7 =	simm.s32 @!p0 $0x108  }
0x21: {  	s3 =	sadd.s32 s3, s9;
	s6 =	sadd.s32 @!p0 $0x88, s6;
	s7 =	simm.s32 @p2 $0x1082  }
0x22: {  	[simem:s7], [sflag:s8] =	dma.local @!p0 [hbm:s6], $0xF7A  }
0x23: {  	s9 =	sor.u32 $0xD0000000, s2;
	s6 =	simm.s32 $0x108;
	_ =	swait.ge @!p0 [sflag:s8], $0x0  }
0x24: {  	s3 =	sadd.s32 $0x88, s3;
	s6 =	simm.s32 @!p1 $0x1082;
	[sflag:s4] =	ssyncset.s32 $0xFFFFF086  }
0x25: {  	[simem:s6], [sflag:s4] =	dma.local [hbm:s3], $0xF7A  }
0x26: {  	[smem:$0x3F9D] =	sst s1;
	(tag) =	ssettag s2;
	_ =	strace s9  }
0x27: {  	s1 =	sld [smem:$0x3FAD]  }
0x28: {  	s2 =	sld [smem:$0x3FAE]  }
0x29: {  	s4 =	sld [smem:$0x3FB0]  }
0x2a: {  	p0 =	seq.s32 s5, $0x0;
	s5 =	sld [smem:$0x3FB1]  }
0x2b: {  	s6 =	sld [smem:$0x3FB2]  }
0x2c: {  	s7 =	sld [smem:$0x3FB3]  }
0x2d: {  	s3 =	simm.s32 $0x108;
	s8 =	sld [smem:$0x3FB4]  }
0x2e: {  	s3 =	simm.s32 @!p0 $0x1082;
	s9 =	sld [smem:$0x3FB5]  }
0x2f: {  	lr =	sadd.s32 s0, s3;
	s0 =	sld [smem:$0x3FAC]  }
0x30: {  	s3 =	sld [smem:$0x3FAF]  }
0x31: {  	[smem:$0x3FB8] =	sst s10  }
0x32: {  	s10 =	sld [smem:$0x3FB6];
	_ =	sdelay $0x3  }
0x33: {  	p0 =	seq.s32 s10, $0x1;
	s10 =	sld [smem:$0x3FB8];
	_ =	sdelay $0x3  }
0x34: {  	[smem:$0x3FB8] =	sst s10  }
0x35: {  	s10 =	sld [smem:$0x3FB7];
	_ =	sdelay $0x3  }
0x36: {  	p1 =	seq.s32 s10, $0x1;
	s10 =	sld [smem:$0x3FB8];
	_ =	sdelay $0x3  }
0x37: {  	[smem:$0x3FB8] =	sst s10  }
0x38: {  	s10 =	sld [smem:$0x3FB9]  }
0x39: {  	_ = 	snop;
	(pc) =	sbr.ind lr, $3  }
0x3a: {  	_ = 	snop  }
0x3b: {  	_ = 	snop  }
0x3c: {  	p2 =	seq.s32 s10, $0x1;
	s10 =	sld [smem:$0x3FB8]  }
0x3d: {  	_ =	shalt  }
0x3e: {  	_ =	shalt  }
0x3f: {  	_ =	shalt  }
0x40: {  	_ =	shalt  }
0x41: {  	_ =	shalt  }
0x42: {  	_ =	shalt  }
0x43: {  	_ =	shalt  }
0x44: {  	_ =	shalt  }
0x45: {  	_ =	shalt  }
0x46: {  	_ =	shalt  }
0x47: {  	_ =	shalt  }
0x48: {  	_ =	shalt  }
0x49: {  	_ =	shalt  }
0x4a: {  	_ =	shalt  }
0x4b: {  	_ =	shalt  }
0x4c: {  	_ =	shalt  }
0x4d: {  	_ =	shalt  }
0x4e: {  	_ =	shalt  }
0x4f: {  	_ =	shalt  }
0x50: {  	_ =	shalt  }
0x51: {  	_ =	shalt  }
0x52: {  	_ =	shalt  }
0x53: {  	_ =	shalt  }
0x54: {  	_ =	shalt  }
0x55: {  	_ =	shalt  }
0x56: {  	_ =	shalt  }
0x57: {  	_ =	shalt  }
0x58: {  	_ =	shalt  }
0x59: {  	_ =	shalt  }
0x5a: {  	_ =	shalt  }
0x5b: {  	_ =	shalt  }
0x5c: {  	_ =	shalt  }
0x5d: {  	_ =	shalt  }
0x5e: {  	_ =	shalt  }
0x5f: {  	_ =	shalt  }
0x60: {  	_ =	shalt  }
0x61: {  	_ =	shalt  }
0x62: {  	_ =	shalt  }
0x63: {  	_ =	shalt  }
0x64: {  	_ =	shalt  }
0x65: {  	_ =	shalt  }
0x66: {  	_ =	shalt  }
0x67: {  	_ =	shalt  }
0x68: {  	_ =	shalt  }
0x69: {  	_ =	shalt  }
0x6a: {  	_ =	shalt  }
0x6b: {  	_ =	shalt  }
0x6c: {  	_ =	shalt  }
0x6d: {  	_ =	shalt  }
0x6e: {  	_ =	shalt  }
0x6f: {  	_ =	shalt  }
0x70: {  	_ =	shalt  }
0x71: {  	_ =	shalt  }
0x72: {  	_ =	shalt  }
0x73: {  	_ =	shalt  }
0x74: {  	_ =	shalt  }
0x75: {  	_ =	shalt  }
0x76: {  	_ =	shalt  }
0x77: {  	_ =	shalt  }
0x78: {  	_ =	shalt  }
0x79: {  	_ =	shalt  }
0x7a: {  	_ =	shalt  }
0x7b: {  	_ =	shalt  }
0x7c: {  	_ =	shalt  }
0x7d: {  	_ =	shalt  }
0x7e: {  	_ =	shalt  }
0x7f: {  	_ =	shalt  }
0x80: {  	_ =	shalt  }
0x81: {  	_ =	shalt  }
0x82: {  	_ =	shalt  }
0x83: {  	_ =	shalt  }
0x84: {  	_ =	shalt  }
0x85: {  	_ =	shalt  }
0x86: {  	_ =	shalt  }
0x87: {  	_ =	shalt  }
.Lfunc_end0:
.L_simem_size_0:
called_computation.1_lowered:
.L_overlay_start_0:
0x88: {  	s2 =	sld [smem:$0x3FD9]  }
0x89: {  	s3 =	sld [smem:$0x3FFE];
	_ =	sdelay $0x1  }
0x8a: {  	s1 =	srdreg.scid  }
0x8b: {  	s0 =	sand.u32 $0x1, s1  }
0x8c: {  	s17 =	sshll.u32 s0, $0xA;
	s2 =	sadd.s32 s3, s2  }
0x8d: {  	s2 =	sadd.s32 s2, s17  }
0x8e: {  	[smem:$0x3FC4] =	sst s2  }
0x8f: {  	_ = 	snop  }
0x90: {  	s18 =	sld [smem:$0x3FC6];
	(tm) =	ssettm $0x1  }
0x91: {  	s19 =	sld [smem:$0x3FFB];
	_ =	sdelay $0x3  }
0x92: {  	_ =	strace s19  }
0x93: {  	s2 =	sld [smem:$0x3FFC];
	_ =	sdelay $0x3  }
0x94: {  	_ =	strace s2  }
0x95: {  	s2 =	sld [smem:$0x3FFD];
	_ =	sdelay $0x3  }
0x96: {  	_ =	strace s2  }
0x97: {  	_ =	strace $0x8FFFFFFF  }
0x98: {  	s20 =	sld [smem:$0x3FDB];
	_ =	sdelay $0x1  }
0x99: {  	s4 =	simm.s32 $_scs_section_size  }
0x9a: {  	s5 =	simm.s32 $_size__tile_overlayer_lowered;
	s6 =	simm.s32 $_tile_overlayer_lowered  }
0x9b: {  	s7 =	simm.s32 $0x1BFF;
	s21 =	sshll.u32 s6, $0x1;
	s4 =	sadd.s32 s4, s20  }
0x9c: {  	s22 =	simm.s32 $0x0;
	s5 =	sshll.u32 s5, $0x1;
	s6 =	sadd.s32 s21, s4  }
0x9d: {  	[timem:s22], [sflag:s7] =	dma.local [hbm:s6], s5  }
0x9e: {  	_ =	swait.ge [sflag:s7], s5  }
0x9f: {  	s5 =	ssub.s32 $0x0, s5;
	[sflag:s7] =	ssyncset.done $0x0  }
0xa0: {  	[sflag:s7] =	ssyncadd.s32 s5;
	_ =	sdelay $0x1  }
0xa1: {  	s23 =	simm.s32 $0x1B8B  }
0xa2: {  	_ =	swait.ge [sflag:s23], $0x1  }
0xa3: {  	[sflag:s23] =	ssyncset.done $0x0  }
0xa4: {  	[sflag:s23] =	ssyncadd.s32 $0xFFFFFFFF  }
0xa5: {  	s5 =	sld [smem:$0x0]  }
0xa6: {  	s6 =	sand.u32 $0xFFFFFFFE, s1  }
0xa7: {  	p0 =	sne.s32 s1, s6  }
0xa8: {  	s6 =	sshll.u32 @p0 s6, $0xE  }
0xa9: {  	s6 =	sadd.s32 @p0 $0x11B8D, s6;
	s7 =	sshll.u32 @p0 s5, $0x11  }
0xaa: {  	s6 =	sor.u32 @p0 s7, s6  }
0xab: {  	[sflag:s6] =	ssyncadd.remote.s32 @p0 $0x1;
	_ =	sdelay $0x1  }
0xac: {  	s6 =	simm.s32 @p0 $0x1B8D  }
0xad: {  	_ =	swait.eq @p0 [sflag:s6], $0x1  }
0xae: {  	[sflag:s6] =	ssyncadd.s32 @p0 $0xFFFFFFFF  }
0xaf: {  	s7 =	sshll.u32 @!p0 s1, $0xE  }
0xb0: {  	s7 =	sor.u32 @!p0 $0x4000, s7;
	s6 =	simm.s32 @!p0 $0x1B8D  }
0xb1: {  	s5 =	sshll.u32 @!p0 s5, $0x11;
	s7 =	sadd.s32 @!p0 $0x11B8D, s7;
	_ =	swait.eq @!p0 [sflag:s6], $0x1  }
0xb2: {  	s5 =	sor.u32 @!p0 s5, s7;
	[sflag:s6] =	ssyncadd.s32 @!p0 $0xFFFFFFFF  }
0xb3: {  	s25 =	simm.s32 $0x1B8E;
	s24 =	sld [smem:$0x3FFE];
	[sflag:s5] =	ssyncadd.remote.s32 @!p0 $0x1  }
0xb4: {  	s26 =	simm.s32 $execute0_lowered;
	[smem:$0x3FD2] =	sst s25  }
0xb5: {  	s6 =	sshll.u32 s26, $0x1;
	_ =	strace $0x80000049;
	[dreg:$0x1] =	wrdreg $0xFFFFFFFF  }
0xb6: {  	s28 =	simm.s32 $_size_execute0_lowered;
	s4 =	sadd.s32 s4, s6;
	[dreg:$0x0] =	wrdreg $0x0  }
0xb7: {  	s6 =	sshll.u32 s28, $0x1;
	[dreg:$0x2] =	wrdreg s4  }
0xb8: {  	[dreg:$0x3] =	wrdreg s6  }
0xb9: {  	[dreg:$0x4] =	wrdreg $0xC0  }
0xba: {  	_ =	task [dreg:s22], $0x5FFFF  }
0xbb: {  	[dreg:$0x1] =	wrdreg $0xFFFFFFFF  }
0xbc: {  	[dreg:$0x0] =	wrdreg $0x60  }
0xbd: {  	[dreg:$0x2] =	wrdreg s24  }
0xbe: {  	[dreg:$0x3] =	wrdreg s18  }
0xbf: {  	[dreg:$0x4] =	wrdreg $0xA  }
0xc0: {  	_ =	task.clear_ibuf [dreg:s22], $0x5FFFF;
	_ =	strace $0x90000049  }
0xc1: {  	s29 =	simm.s32 $0xA;
	_ =	strace $0x8000004B  }
0xc2: {  	_ =	swait.ge [sflag:s29], $0x1  }
0xc3: {  	[sflag:s29] =	ssyncadd.s32 $0xFFFFFFFF  }
0xc4: {  	_ =	strace $0x9000004B  }
0xc5: {  	_ =	sfence  }
0xc6: {  	s30 =	sld [smem:$0x0];
	_ =	sdelay $0x2  }
0xc7: {  	s31 =	sshll.u32 s1, $0xD;
	s1 =	sshrl.u32 s1, $0x2  }
0xc8: {  	s4 =	sand.u32 $0x4000, s31;
	s1 =	sadd.s32 s1, s30  }
0xc9: {  	s0 =	sor.u32 s4, s0;
	s1 =	sshll.u32 s1, $0x11  }
0xca: {  	s0 =	sor.u32 s1, s0  }
0xcb: {  	s0 =	sadd.s32 $0x8F2B, s0  }
0xcc: {  	[sflag:s0] =	ssyncadd.remote.s32 $0x1  }
0xcd: {  	_ =	sfence.sel $0xFFFF  }
0xce: {  	[dreg:$0x0] =	wrdreg $0xFFFFFFFF;
	(pc) =	sbr.abs _section_cstart, $3  }
0xcf: {  	[dreg:$0x1] =	wrdreg $0xFFFFFFFF  }
0xd0: {  	_ =	task.clear_ibuf [dreg:s22], $0x2FFFF;
	_ =	strace $0x9FFFFFFF  }
0xd1: {  	(tm) =	ssettm $0x7FFFFFFF  }
tec
execute0_lowered:
.L_overlay_start_1:
0x0: {  	(tag) =	ssettag $0x1  }
0x1: {  	s1 =	srdreg.scid  }
0x2: {  	s14 =	rddreg [dreg:$0x0];
	s0 =	stileid.u32;
	s15 =	sand.u32 $0x1, s1  }
0x3: {  	s3 =	rddreg [dreg:$0x1];
	s4 =	sshll.u32 s0, $0xA;
	s5 =	sshll.u32 s15, $0x9  }
0x4: {  	s2 =	simm.s32 $0x0;
	s1 =	rddreg [dreg:$0x2];
	s16 =	sor.u32 s5, s4  }
0x5: {  	[smem:$0x7FF] =	sst s2;
	s4 =	sshrl.u32 s16, $0x3  }
0x6: {  	_ =	strace $0x8000004A;
	s3 =	sadd.s32 s3, s4;
	s4 =	simm.s32 $0x1  }
0x7: {  	[tilespmem:s2], [sflag:$0x1] =	stream.linear.gather [hbm4b:s3+s2], $0x200, $0x38;
	[tilespmem:$0x10200] =	vst v63  }
0x8: {  	_ =	swait.ge [sflag:s4], $0x200  }
0x9: {  	s6 =	simm.s32 $0x80;
	[sflag:s4] =	ssyncset.done $0x0  }
0xa: {  	s7 =	simm.s32 $0x200;
	s5 =	sadd.s32 $0x1C7800, s14;
	[sflag:s4] =	ssyncadd.s32 $0xFFFFFE00  }
0xb: {  	[tilespmem:s7], [sflag:$0x2] =	stream.indirect.gather [hbm4b:s5+s6], $0x80, s2, s6, $0xb8;
	[tilespmem:$0x10200] =	vst v63  }
0xc: {  	s8 =	simm.s32 $0x4200  }
0xd: {  	[tilespmem:s8], [sflag:$0x2] =	stream.indirect.gather [hbm4b:s5+s6], $0x80, s6, s6, $0xb8;
	[tilespmem:$0x10200] =	vst v63  }
0xe: {  	s9 =	simm.s32 $0x100;
	s10 =	simm.s32 $0x8200  }
0xf: {  	[tilespmem:s10], [sflag:$0x2] =	stream.indirect.gather [hbm4b:s5+s6], $0x80, s9, s6, $0xb8;
	[tilespmem:$0x10200] =	vst v63  }
0x10: {  	s11 =	simm.s32 $0x180;
	s12 =	simm.s32 $0xC200;
	s13 =	simm.s32 $0x2  }
0x11: {  	[tilespmem:s12], [sflag:$0x2] =	stream.indirect.gather [hbm4b:s5+s6], $0x80, s11, s6, $0xb8;
	[tilespmem:$0x10200] =	vst v63  }
0x12: {  	_ =	swait.ge [sflag:s13], $0x4000  }
0x13: {  	[sflag:s13] =	ssyncset.done $0x0  }
0x14: {  	[sflag:s13] =	ssyncadd.s32 $0xFFFFC000  }
0x15: {  	_ =	swait.ge [sflag:s13], $0x4000  }
0x16: {  	[sflag:s13] =	ssyncset.done $0x0  }
0x17: {  	s15 =	ssub.s32 $0x2, s15;
	[sflag:s13] =	ssyncadd.s32 $0xFFFFC000  }
0x18: {  	s31 =	sshrl.u32 s15, $0x1;
	_ =	swait.ge [sflag:s13], $0x4000  }
0x19: {  	s16 =	sshll.u32 s16, $0x4;
	s15 =	ssub.s32 s15, s31;
	[sflag:s13] =	ssyncset.done $0x0  }
0x1a: {  	s14 =	sadd.s32 s16, s14;
	s16 =	smax.u32 s15, $0x1;
	[sflag:s13] =	ssyncadd.s32 $0xFFFFC000  }
0x1b: {  	p0 =	sne.s32 s16, $0x1;
	_ =	swait.ge [sflag:s13], $0x4000  }
.Ltmp0:
0x1c: {  	[sflag:s13] =	ssyncset.done $0x0;
	(pc) =	sbr.rel @!p0 .LBB2_2-.Ltmp0, $4  }
0x1d: {  	s15 =	simm.s32 $0x3;
	s14 =	sadd.s32 $0x34E200, s14;
	[sflag:s13] =	ssyncadd.s32 $0xFFFFC000  }
0x1e: {  	[hbm4b:s14+s2] =	stream.linear.scatter [tilespmem:s7], [sflag:$0x3], $0x10000, $0x38;
	[tilespmem:$0x10200] =	vst v63  }
0x1f: {  	_ =	swait.ge [sflag:s15], $0x10000  }
0x20: {  	s16 =	sadd.s32 $0xFFFFFFFF, s16;
	[sflag:s15] =	ssyncset.done $0x0  }
.LBB2_1:
0x21: {  	p0 =	sne.s32 s16, $0x1;
	s16 =	sadd.s32 $0xFFFFFFFF, s16;
	[sflag:s15] =	ssyncadd.s32 $0xFFFF0000  }
0x22: {  	[tilespmem:s2], [sflag:$0x1] =	stream.linear.gather [hbm4b:s3+s2], $0x200, $0x38;
	[tilespmem:$0x10200] =	vst v63  }
0x23: {  	_ =	swait.ge [sflag:s4], $0x200  }
0x24: {  	[sflag:s4] =	ssyncset.done $0x0  }
0x25: {  	[sflag:s4] =	ssyncadd.s32 $0xFFFFFE00  }
0x26: {  	[tilespmem:s7], [sflag:$0x2] =	stream.indirect.gather [hbm4b:s5+s6], $0x80, s2, s6, $0xb8;
	[tilespmem:$0x10200] =	vst v63  }
0x27: {  	_ = 	snop  }
0x28: {  	[tilespmem:s8], [sflag:$0x2] =	stream.indirect.gather [hbm4b:s5+s6], $0x80, s6, s6, $0xb8;
	[tilespmem:$0x10200] =	vst v63  }
0x29: {  	_ = 	snop  }
0x2a: {  	[tilespmem:s10], [sflag:$0x2] =	stream.indirect.gather [hbm4b:s5+s6], $0x80, s9, s6, $0xb8;
	[tilespmem:$0x10200] =	vst v63  }
0x2b: {  	_ = 	snop  }
0x2c: {  	[tilespmem:s12], [sflag:$0x2] =	stream.indirect.gather [hbm4b:s5+s6], $0x80, s11, s6, $0xb8;
	[tilespmem:$0x10200] =	vst v63  }
0x2d: {  	_ =	swait.ge [sflag:s13], $0x4000  }
0x2e: {  	[sflag:s13] =	ssyncset.done $0x0  }
0x2f: {  	[sflag:s13] =	ssyncadd.s32 $0xFFFFC000  }
0x30: {  	_ =	swait.ge [sflag:s13], $0x4000  }
0x31: {  	[sflag:s13] =	ssyncset.done $0x0  }
0x32: {  	[sflag:s13] =	ssyncadd.s32 $0xFFFFC000  }
0x33: {  	_ =	swait.ge [sflag:s13], $0x4000  }
0x34: {  	[sflag:s13] =	ssyncset.done $0x0  }
0x35: {  	[sflag:s13] =	ssyncadd.s32 $0xFFFFC000  }
0x36: {  	_ =	swait.ge [sflag:s13], $0x4000  }
.Ltmp1:
0x37: {  	[sflag:s13] =	ssyncset.done $0x0;
	(pc) =	sbr.rel @p0 .LBB2_1-.Ltmp1, $4  }
0x38: {  	[sflag:s13] =	ssyncadd.s32 $0xFFFFC000  }
0x39: {  	[hbm4b:s14+s2] =	stream.linear.scatter [tilespmem:s7], [sflag:$0x3], $0x10000, $0x38;
	[tilespmem:$0x10200] =	vst v63  }
0x3a: {  	_ =	swait.ge [sflag:s15], $0x10000  }
0x3b: {  	[sflag:s15] =	ssyncset.done $0x0  }
.LBB2_2:
0x3c: {  	[sflag:s15] =	ssyncadd.s32 $0xFFFF0000  }
0x3d: {  	_ =	sfence.sel $0x180000  }
0x3e: {  	[bflag:$0x0] =	sbarrier.arrive $0xFFFF  }
0x3f: {  	p0 =	sne.s32 s0, $0x0;
	_ =	strace $0x9000004A  }
0x40: {  	s0 =	sadd.s32 @!p0 $0x100000, s1;
	[bflag:$0x2] =	sbarrier.arrive $0xFFFF  }
0x41: {  	[sflag:s0] =	ssyncadd.tile.s32 @!p0 $0x1;
	_ =	shalt  }
.Lfunc_end2:
_tile_overlayer_lowered:
.L_overlay_start_2:
0x42: {  	(tag) =	ssettag $0x2  }
0x43: {  	s0 =	rddreg [dreg:$0x0];
	s2 =	stileid.u32  }
0x44: {  	s1 =	rddreg [dreg:$0x1];
	p0 =	sne.s32 s2, $0x0  }
0x45: {  	s3 =	rddreg [dreg:$0x2];
	[bflag:$0x3] =	sbarrier.arrive $0xFFFF;
	s2 =	simm.s32 @!p0 $0x1C04  }
0x46: {  	[timem:s3], [sflag:s2] =	dma.local @!p0 [hbm:s0], s1  }
0x47: {  	s0 =	simm.s32 @!p0 $0x4  }
0x48: {  	_ =	swait.ge @!p0 [sflag:s0], s1  }
0x49: {  	s1 =	ssub.s32 @!p0 $0x0, s1;
	[sflag:s0] =	ssyncset.done @!p0 $0x0  }
0x4a: {  	[sflag:s0] =	ssyncadd.s32 @!p0 s1  }
0x4b: {  	[bflag:$0x3] =	sbarrier.arrive $0xFFFF  }
0x4c: {  	_ =	shalt  }

// kernel: _run.7.cloned.1.call-start
scs
__scs_entry_jumppad:
0x0: {  	(pc) =	sbr.rel $0x88, $3  }
0x1: {  	(tag) =	ssettag $0x0;
	lr =	simm.s32 $0x1  }
0x2: {  	[smem:$0x3F9D] =	sst lr;
	_ =	strace $0xD0000000  }
0x3: {  	_ = 	snop  }
0x4: {  	_ = 	snop  }
0x5: {  	_ = 	snop  }
0x6: {  	_ = 	snop  }
0x7: {  	_ = 	snop  }
__scs_overlays_trampoline_lowered:
0x8: {  	[smem:$0x3FAC] =	sst s0  }
0x9: {  	[smem:$0x3FAD] =	sst s1  }
0xa: {  	[smem:$0x3FAE] =	sst s2  }
0xb: {  	[smem:$0x3FAF] =	sst s3  }
0xc: {  	[smem:$0x3FB0] =	sst s4  }
0xd: {  	[smem:$0x3FB1] =	sst s5  }
0xe: {  	[smem:$0x3FB2] =	sst s6  }
0xf: {  	[smem:$0x3FB3] =	sst s7  }
0x10: {  	[smem:$0x3FB4] =	sst s8  }
0x11: {  	[smem:$0x3FB5] =	sst s9;
	s0 =	simm.s32 @!p0 $0x0  }
0x12: {  	s1 =	sld [smem:$0x3F9B];
	s0 =	simm.s32 @p0 $0x1  }
0x13: {  	[smem:$0x3FB6] =	sst s0;
	s0 =	simm.s32 @!p1 $0x0  }
0x14: {  	s2 =	sld [smem:$0x3F9A];
	s0 =	simm.s32 @p1 $0x1  }
0x15: {  	[smem:$0x3FB7] =	sst s0;
	s0 =	simm.s32 @!p2 $0x0  }
0x16: {  	s3 =	sld [smem:$0x3FDB];
	s0 =	simm.s32 @p2 $0x1  }
0x17: {  	s4 =	simm.s32 $0x1BF5;
	[smem:$0x3FB9] =	sst s0  }
0x18: {  	s0 =	sld [smem:$0x3F9C];
	_ =	swait.ge [sflag:s4], $0x0  }
0x19: {  	s7 =	sld [smem:$0x3F9D]  }
0x1a: {  	s8 =	sadd.s32 $0xFFFFE003, lr  }
0x1b: {  	s9 =	sadd.s32 $0xFFFFFEF7, lr;
	s5 =	simm.s32 $0xFFFFFFFF;
	p2 =	slt.u32 s8, $0xFFFFF086  }
0x1c: {  	p1 =	slt.u32 s9, $0xF7A;
	s5 =	simm.s32 @!p2 $0x0  }
0x1d: {  	s5 =	simm.s32 @p1 $0x1;
	p0 =	seq.s32 s7, s2  }
0x1e: {  	s7 =	smul.u32 @!p0 $0xF7A, s2;
	p2 =	seq.s32 @!p0 s5, $0x0  }
0x1f: {  	s9 =	smul.u32 $0xF7A, s1;
	s8 =	simm.s32 @!p0 $0x1BF5;
	p2 =	por !p2, p0  }
0x20: {  	[sflag:s8] =	ssyncset.s32 @!p0 $0xFFFFF086;
	s6 =	sadd.s32 @!p0 s3, s7;
	s7 =	simm.s32 @!p0 $0x108  }
0x21: {  	s3 =	sadd.s32 s3, s9;
	s6 =	sadd.s32 @!p0 $0x88, s6;
	s7 =	simm.s32 @p2 $0x1082  }
0x22: {  	[simem:s7], [sflag:s8] =	dma.local @!p0 [hbm:s6], $0xF7A  }
0x23: {  	s9 =	sor.u32 $0xD0000000, s2;
	s6 =	simm.s32 $0x108;
	_ =	swait.ge @!p0 [sflag:s8], $0x0  }
0x24: {  	s3 =	sadd.s32 $0x88, s3;
	s6 =	simm.s32 @!p1 $0x1082;
	[sflag:s4] =	ssyncset.s32 $0xFFFFF086  }
0x25: {  	[simem:s6], [sflag:s4] =	dma.local [hbm:s3], $0xF7A  }
0x26: {  	[smem:$0x3F9D] =	sst s1;
	(tag) =	ssettag s2;
	_ =	strace s9  }
0x27: {  	s1 =	sld [smem:$0x3FAD]  }
0x28: {  	s2 =	sld [smem:$0x3FAE]  }
0x29: {  	s4 =	sld [smem:$0x3FB0]  }
0x2a: {  	p0 =	seq.s32 s5, $0x0;
	s5 =	sld [smem:$0x3FB1]  }
0x2b: {  	s6 =	sld [smem:$0x3FB2]  }
0x2c: {  	s7 =	sld [smem:$0x3FB3]  }
0x2d: {  	s3 =	simm.s32 $0x108;
	s8 =	sld [smem:$0x3FB4]  }
0x2e: {  	s3 =	simm.s32 @!p0 $0x1082;
	s9 =	sld [smem:$0x3FB5]  }
0x2f: {  	lr =	sadd.s32 s0, s3;
	s0 =	sld [smem:$0x3FAC]  }
0x30: {  	s3 =	sld [smem:$0x3FAF]  }
0x31: {  	[smem:$0x3FB8] =	sst s10  }
0x32: {  	s10 =	sld [smem:$0x3FB6];
	_ =	sdelay $0x3  }
0x33: {  	p0 =	seq.s32 s10, $0x1;
	s10 =	sld [smem:$0x3FB8];
	_ =	sdelay $0x3  }
0x34: {  	[smem:$0x3FB8] =	sst s10  }
0x35: {  	s10 =	sld [smem:$0x3FB7];
	_ =	sdelay $0x3  }
0x36: {  	p1 =	seq.s32 s10, $0x1;
	s10 =	sld [smem:$0x3FB8];
	_ =	sdelay $0x3  }
0x37: {  	[smem:$0x3FB8] =	sst s10  }
0x38: {  	s10 =	sld [smem:$0x3FB9]  }
0x39: {  	_ = 	snop;
	(pc) =	sbr.ind lr, $3  }
0x3a: {  	_ = 	snop  }
0x3b: {  	_ = 	snop  }
0x3c: {  	p2 =	seq.s32 s10, $0x1;
	s10 =	sld [smem:$0x3FB8]  }
0x3d: {  	_ =	shalt  }
0x3e: {  	_ =	shalt  }
0x3f: {  	_ =	shalt  }
0x40: {  	_ =	shalt  }
0x41: {  	_ =	shalt  }
0x42: {  	_ =	shalt  }
0x43: {  	_ =	shalt  }
0x44: {  	_ =	shalt  }
0x45: {  	_ =	shalt  }
0x46: {  	_ =	shalt  }
0x47: {  	_ =	shalt  }
0x48: {  	_ =	shalt  }
0x49: {  	_ =	shalt  }
0x4a: {  	_ =	shalt  }
0x4b: {  	_ =	shalt  }
0x4c: {  	_ =	shalt  }
0x4d: {  	_ =	shalt  }
0x4e: {  	_ =	shalt  }
0x4f: {  	_ =	shalt  }
0x50: {  	_ =	shalt  }
0x51: {  	_ =	shalt  }
0x52: {  	_ =	shalt  }
0x53: {  	_ =	shalt  }
0x54: {  	_ =	shalt  }
0x55: {  	_ =	shalt  }
0x56: {  	_ =	shalt  }
0x57: {  	_ =	shalt  }
0x58: {  	_ =	shalt  }
0x59: {  	_ =	shalt  }
0x5a: {  	_ =	shalt  }
0x5b: {  	_ =	shalt  }
0x5c: {  	_ =	shalt  }
0x5d: {  	_ =	shalt  }
0x5e: {  	_ =	shalt  }
0x5f: {  	_ =	shalt  }
0x60: {  	_ =	shalt  }
0x61: {  	_ =	shalt  }
0x62: {  	_ =	shalt  }
0x63: {  	_ =	shalt  }
0x64: {  	_ =	shalt  }
0x65: {  	_ =	shalt  }
0x66: {  	_ =	shalt  }
0x67: {  	_ =	shalt  }
0x68: {  	_ =	shalt  }
0x69: {  	_ =	shalt  }
0x6a: {  	_ =	shalt  }
0x6b: {  	_ =	shalt  }
0x6c: {  	_ =	shalt  }
0x6d: {  	_ =	shalt  }
0x6e: {  	_ =	shalt  }
0x6f: {  	_ =	shalt  }
0x70: {  	_ =	shalt  }
0x71: {  	_ =	shalt  }
0x72: {  	_ =	shalt  }
0x73: {  	_ =	shalt  }
0x74: {  	_ =	shalt  }
0x75: {  	_ =	shalt  }
0x76: {  	_ =	shalt  }
0x77: {  	_ =	shalt  }
0x78: {  	_ =	shalt  }
0x79: {  	_ =	shalt  }
0x7a: {  	_ =	shalt  }
0x7b: {  	_ =	shalt  }
0x7c: {  	_ =	shalt  }
0x7d: {  	_ =	shalt  }
0x7e: {  	_ =	shalt  }
0x7f: {  	_ =	shalt  }
0x80: {  	_ =	shalt  }
0x81: {  	_ =	shalt  }
0x82: {  	_ =	shalt  }
0x83: {  	_ =	shalt  }
0x84: {  	_ =	shalt  }
0x85: {  	_ =	shalt  }
0x86: {  	_ =	shalt  }
0x87: {  	_ =	shalt  }
.Lfunc_end0:
.L_simem_size_0:
called_computation_lowered:
.L_overlay_start_0:
0x88: {  	s2 =	sld [smem:$0x3FD9]  }
0x89: {  	s3 =	sld [smem:$0x3FFE];
	_ =	sdelay $0x1  }
0x8a: {  	s1 =	srdreg.scid  }
0x8b: {  	s0 =	sand.u32 $0x1, s1  }
0x8c: {  	s17 =	sshll.u32 s0, $0xA;
	s2 =	sadd.s32 s3, s2  }
0x8d: {  	s2 =	sadd.s32 s2, s17  }
0x8e: {  	[smem:$0x3FC4] =	sst s2  }
0x8f: {  	_ = 	snop  }
0x90: {  	s2 =	sld [smem:$0x3FC7];
	(tm) =	ssettm $0x1  }
0x91: {  	s18 =	sld [smem:$0x3FFB];
	_ =	sdelay $0x3  }
0x92: {  	_ =	strace s18  }
0x93: {  	s3 =	sld [smem:$0x3FFC];
	_ =	sdelay $0x3  }
0x94: {  	_ =	strace s3  }
0x95: {  	s3 =	sld [smem:$0x3FFD];
	_ =	sdelay $0x3  }
0x96: {  	_ =	strace s3  }
0x97: {  	_ =	strace $0x8FFFFFFF  }
0x98: {  	s19 =	sld [smem:$0x3FDB];
	_ =	sdelay $0x1  }
0x99: {  	s4 =	simm.s32 $_scs_section_size  }
0x9a: {  	s5 =	simm.s32 $_size__tile_overlayer_lowered;
	s6 =	simm.s32 $_tile_overlayer_lowered  }
0x9b: {  	s22 =	simm.s32 $0x1BFF;
	s21 =	sshll.u32 s6, $0x1;
	s3 =	sadd.s32 s4, s19  }
0x9c: {  	s7 =	simm.s32 $0x0;
	s20 =	sshll.u32 s5, $0x1;
	s5 =	sadd.s32 s21, s3  }
0x9d: {  	[timem:s7], [sflag:s22] =	dma.local [hbm:s5], s20  }
0x9e: {  	_ =	swait.ge [sflag:s22], s20  }
0x9f: {  	s4 =	ssub.s32 $0x0, s20;
	[sflag:s22] =	ssyncset.done $0x0  }
0xa0: {  	[sflag:s22] =	ssyncadd.s32 s4;
	_ =	sdelay $0x1  }
0xa1: {  	s23 =	simm.s32 $0x1B8B  }
0xa2: {  	_ =	swait.ge [sflag:s23], $0x1  }
0xa3: {  	[sflag:s23] =	ssyncset.done $0x0  }
0xa4: {  	s25 =	simm.s32 $0x1B8E;
	s24 =	sld [smem:$0x3FFE];
	[sflag:s23] =	ssyncadd.s32 $0xFFFFFFFF  }
0xa5: {  	s26 =	simm.s32 $execute0_lowered;
	[smem:$0x3FD2] =	sst s25  }
0xa6: {  	s5 =	sshll.u32 s26, $0x1;
	_ =	strace $0x80000046;
	[dreg:$0x1] =	wrdreg $0xFFFFFFFF  }
0xa7: {  	s28 =	simm.s32 $_size_execute0_lowered;
	s3 =	sadd.s32 s3, s5;
	[dreg:$0x0] =	wrdreg $0x0  }
0xa8: {  	s5 =	sshll.u32 s28, $0x1;
	[dreg:$0x2] =	wrdreg s3  }
0xa9: {  	[dreg:$0x3] =	wrdreg s5  }
0xaa: {  	[dreg:$0x4] =	wrdreg $0xC0  }
0xab: {  	_ =	task [dreg:s7], $0x5FFFF  }
0xac: {  	[dreg:$0x1] =	wrdreg $0xFFFFFFFF  }
0xad: {  	[dreg:$0x0] =	wrdreg $0x60  }
0xae: {  	[dreg:$0x2] =	wrdreg s24  }
0xaf: {  	[dreg:$0x3] =	wrdreg s2  }
0xb0: {  	[dreg:$0x4] =	wrdreg $0x9  }
0xb1: {  	_ =	task.clear_ibuf [dreg:s7], $0x5FFFF;
	_ =	strace $0x90000046  }
0xb2: {  	s29 =	simm.s32 $0x9;
	_ =	strace $0x80000048  }
0xb3: {  	_ =	swait.ge [sflag:s29], $0x1  }
0xb4: {  	[sflag:s29] =	ssyncadd.s32 $0xFFFFFFFF  }
0xb5: {  	_ =	strace $0x90000048  }
0xb6: {  	_ =	sfence  }
0xb7: {  	s30 =	sld [smem:$0x0];
	_ =	sdelay $0x2  }
0xb8: {  	s31 =	sshll.u32 s1, $0xD;
	s1 =	sshrl.u32 s1, $0x2  }
0xb9: {  	s3 =	sand.u32 $0x4000, s31;
	s1 =	sadd.s32 s1, s30  }
0xba: {  	s0 =	sor.u32 s3, s0;
	s1 =	sshll.u32 s1, $0x11  }
0xbb: {  	s0 =	sor.u32 s1, s0  }
0xbc: {  	s0 =	sadd.s32 $0x8F2B, s0  }
0xbd: {  	[sflag:s0] =	ssyncadd.remote.s32 $0x1  }
0xbe: {  	_ =	sfence.sel $0xFFFF  }
0xbf: {  	[dreg:$0x0] =	wrdreg $0xFFFFFFFF;
	(pc) =	sbr.abs _section_cstart, $3  }
0xc0: {  	[dreg:$0x1] =	wrdreg $0xFFFFFFFF  }
0xc1: {  	_ =	task.clear_ibuf [dreg:s7], $0x2FFFF;
	_ =	strace $0x9FFFFFFF  }
0xc2: {  	(tm) =	ssettm $0x7FFFFFFF  }
0xc3: {  	_ =	shalt  }
tec
execute0_lowered:
.L_overlay_start_1:
0x0: {  	(tag) =	ssettag $0x1  }
0x1: {  	s1 =	srdreg.scid  }
0x2: {  	s14 =	rddreg [dreg:$0x0];
	s0 =	stileid.u32;
	s15 =	sand.u32 $0x1, s1  }
0x3: {  	s3 =	rddreg [dreg:$0x1];
	s4 =	sshll.u32 s0, $0xA;
	s5 =	sshll.u32 s15, $0x9  }
0x4: {  	s2 =	simm.s32 $0x0;
	s1 =	rddreg [dreg:$0x2];
	s16 =	sor.u32 s5, s4  }
0x5: {  	[smem:$0x7FF] =	sst s2;
	s4 =	sshrl.u32 s16, $0x3  }
0x6: {  	_ =	strace $0x80000047;
	s3 =	sadd.s32 s3, s4;
	s4 =	simm.s32 $0x1  }
0x7: {  	[tilespmem:s2], [sflag:$0x1] =	stream.linear.gather [hbm4b:s3+s2], $0x200, $0x38;
	[tilespmem:$0x10200] =	vst v63  }
0x8: {  	_ =	swait.ge [sflag:s4], $0x200  }
0x9: {  	s6 =	simm.s32 $0x80;
	[sflag:s4] =	ssyncset.done $0x0  }
0xa: {  	s7 =	simm.s32 $0x200;
	s5 =	sadd.s32 $0xE00, s14;
	[sflag:s4] =	ssyncadd.s32 $0xFFFFFE00  }
0xb: {  	[tilespmem:s7], [sflag:$0x2] =	stream.indirect.gather [hbm4b:s5+s6], $0x80, s2, s6, $0xb8;
	[tilespmem:$0x10200] =	vst v63  }
0xc: {  	s8 =	simm.s32 $0x4200  }
0xd: {  	[tilespmem:s8], [sflag:$0x2] =	stream.indirect.gather [hbm4b:s5+s6], $0x80, s6, s6, $0xb8;
	[tilespmem:$0x10200] =	vst v63  }
0xe: {  	s9 =	simm.s32 $0x100;
	s10 =	simm.s32 $0x8200  }
0xf: {  	[tilespmem:s10], [sflag:$0x2] =	stream.indirect.gather [hbm4b:s5+s6], $0x80, s9, s6, $0xb8;
	[tilespmem:$0x10200] =	vst v63  }
0x10: {  	s11 =	simm.s32 $0x180;
	s12 =	simm.s32 $0xC200;
	s13 =	simm.s32 $0x2  }
0x11: {  	[tilespmem:s12], [sflag:$0x2] =	stream.indirect.gather [hbm4b:s5+s6], $0x80, s11, s6, $0xb8;
	[tilespmem:$0x10200] =	vst v63  }
0x12: {  	_ =	swait.ge [sflag:s13], $0x4000  }
0x13: {  	[sflag:s13] =	ssyncset.done $0x0  }
0x14: {  	[sflag:s13] =	ssyncadd.s32 $0xFFFFC000  }
0x15: {  	_ =	swait.ge [sflag:s13], $0x4000  }
0x16: {  	[sflag:s13] =	ssyncset.done $0x0  }
0x17: {  	s15 =	ssub.s32 $0x2, s15;
	[sflag:s13] =	ssyncadd.s32 $0xFFFFC000  }
0x18: {  	s31 =	sshrl.u32 s15, $0x1;
	_ =	swait.ge [sflag:s13], $0x4000  }
0x19: {  	s16 =	sshll.u32 s16, $0x4;
	s15 =	ssub.s32 s15, s31;
	[sflag:s13] =	ssyncset.done $0x0  }
0x1a: {  	s14 =	sadd.s32 s16, s14;
	s16 =	smax.u32 s15, $0x1;
	[sflag:s13] =	ssyncadd.s32 $0xFFFFC000  }
0x1b: {  	p0 =	sne.s32 s16, $0x1;
	_ =	swait.ge [sflag:s13], $0x4000  }
.Ltmp0:
0x1c: {  	[sflag:s13] =	ssyncset.done $0x0;
	(pc) =	sbr.rel @!p0 .LBB2_2-.Ltmp0, $4  }
0x1d: {  	s15 =	simm.s32 $0x3;
	s14 =	sadd.s32 $0x187800, s14;
	[sflag:s13] =	ssyncadd.s32 $0xFFFFC000  }
0x1e: {  	[hbm4b:s14+s2] =	stream.linear.scatter [tilespmem:s7], [sflag:$0x3], $0x10000, $0x38;
	[tilespmem:$0x10200] =	vst v63  }
0x1f: {  	_ =	swait.ge [sflag:s15], $0x10000  }
0x20: {  	s16 =	sadd.s32 $0xFFFFFFFF, s16;
	[sflag:s15] =	ssyncset.done $0x0  }
.LBB2_1:
0x21: {  	p0 =	sne.s32 s16, $0x1;
	s16 =	sadd.s32 $0xFFFFFFFF, s16;
	[sflag:s15] =	ssyncadd.s32 $0xFFFF0000  }
0x22: {  	[tilespmem:s2], [sflag:$0x1] =	stream.linear.gather [hbm4b:s3+s2], $0x200, $0x38;
	[tilespmem:$0x10200] =	vst v63  }
0x23: {  	_ =	swait.ge [sflag:s4], $0x200  }
0x24: {  	[sflag:s4] =	ssyncset.done $0x0  }
0x25: {  	[sflag:s4] =	ssyncadd.s32 $0xFFFFFE00  }
0x26: {  	[tilespmem:s7], [sflag:$0x2] =	stream.indirect.gather [hbm4b:s5+s6], $0x80, s2, s6, $0xb8;
	[tilespmem:$0x10200] =	vst v63  }
0x27: {  	_ = 	snop  }
0x28: {  	[tilespmem:s8], [sflag:$0x2] =	stream.indirect.gather [hbm4b:s5+s6], $0x80, s6, s6, $0xb8;
	[tilespmem:$0x10200] =	vst v63  }
0x29: {  	_ = 	snop  }
0x2a: {  	[tilespmem:s10], [sflag:$0x2] =	stream.indirect.gather [hbm4b:s5+s6], $0x80, s9, s6, $0xb8;
	[tilespmem:$0x10200] =	vst v63  }
0x2b: {  	_ = 	snop  }
0x2c: {  	[tilespmem:s12], [sflag:$0x2] =	stream.indirect.gather [hbm4b:s5+s6], $0x80, s11, s6, $0xb8;
	[tilespmem:$0x10200] =	vst v63  }
0x2d: {  	_ =	swait.ge [sflag:s13], $0x4000  }
0x2e: {  	[sflag:s13] =	ssyncset.done $0x0  }
0x2f: {  	[sflag:s13] =	ssyncadd.s32 $0xFFFFC000  }
0x30: {  	_ =	swait.ge [sflag:s13], $0x4000  }
0x31: {  	[sflag:s13] =	ssyncset.done $0x0  }
0x32: {  	[sflag:s13] =	ssyncadd.s32 $0xFFFFC000  }
0x33: {  	_ =	swait.ge [sflag:s13], $0x4000  }
0x34: {  	[sflag:s13] =	ssyncset.done $0x0  }
0x35: {  	[sflag:s13] =	ssyncadd.s32 $0xFFFFC000  }
0x36: {  	_ =	swait.ge [sflag:s13], $0x4000  }
.Ltmp1:
0x37: {  	[sflag:s13] =	ssyncset.done $0x0;
	(pc) =	sbr.rel @p0 .LBB2_1-.Ltmp1, $4  }
0x38: {  	[sflag:s13] =	ssyncadd.s32 $0xFFFFC000  }
0x39: {  	[hbm4b:s14+s2] =	stream.linear.scatter [tilespmem:s7], [sflag:$0x3], $0x10000, $0x38;
	[tilespmem:$0x10200] =	vst v63  }
0x3a: {  	_ =	swait.ge [sflag:s15], $0x10000  }
0x3b: {  	[sflag:s15] =	ssyncset.done $0x0  }
.LBB2_2:
0x3c: {  	[sflag:s15] =	ssyncadd.s32 $0xFFFF0000  }
0x3d: {  	_ =	sfence.sel $0x180000  }
0x3e: {  	[bflag:$0x0] =	sbarrier.arrive $0xFFFF  }
0x3f: {  	p0 =	sne.s32 s0, $0x0;
	_ =	strace $0x90000047  }
0x40: {  	s0 =	sadd.s32 @!p0 $0x100000, s1;
	[bflag:$0x2] =	sbarrier.arrive $0xFFFF  }
0x41: {  	[sflag:s0] =	ssyncadd.tile.s32 @!p0 $0x1;
	_ =	shalt  }
.Lfunc_end2:
_tile_overlayer_lowered:
.L_overlay_start_2:
0x42: {  	(tag) =	ssettag $0x2  }
0x43: {  	s0 =	rddreg [dreg:$0x0];
	s2 =	stileid.u32  }
0x44: {  	s1 =	rddreg [dreg:$0x1];
	p0 =	sne.s32 s2, $0x0  }
0x45: {  	s3 =	rddreg [dreg:$0x2];
	[bflag:$0x3] =	sbarrier.arrive $0xFFFF;
	s2 =	simm.s32 @!p0 $0x1C04  }
0x46: {  	[timem:s3], [sflag:s2] =	dma.local @!p0 [hbm:s0], s1  }
0x47: {  	s0 =	simm.s32 @!p0 $0x4  }
0x48: {  	_ =	swait.ge @!p0 [sflag:s0], s1  }
0x49: {  	s1 =	ssub.s32 @!p0 $0x0, s1;
	[sflag:s0] =	ssyncset.done @!p0 $0x0  }
0x4a: {  	[sflag:s0] =	ssyncadd.s32 @!p0 s1  }
0x4b: {  	[bflag:$0x3] =	sbarrier.arrive $0xFFFF  }
0x4c: {  	_ =	shalt  }

</sc_bundles>
